<compile_context>
chip_gen: v7x
topology: tpu7x:2x2x1
jax: 0.10.2.dev20260603
libtpu: 0.0.44.dev20260713+nightly
codegen_flags: <defaults>
</compile_context>

<pallas_src>
import functools

import jax
import jax.numpy as jnp
from jax import lax
from jax.experimental import pallas as pl
from jax.experimental.pallas import tpu as pltpu
from jax.experimental.pallas import tpu_sc as plsc

_B, _S, _EMB = 4096, 200, 128
_N = _B * _S
_NW = 32
_PER_W = _N // _NW
_CROWS = 2 * _S
_CHUNKS = _PER_W // _CROWS
_ISLOTS = 4


def _sc_embed(seq_flat, tok_table, pos_table):
    mesh = plsc.VectorSubcoreMesh(core_axis_name="c", subcore_axis_name="s")

    @functools.partial(
        pl.kernel,
        out_type=jax.ShapeDtypeStruct((_N, _EMB), jnp.float32),
        mesh=mesh,
        scratch_types=[
            pltpu.VMEM((_ISLOTS * _CROWS,), jnp.int32),
            pltpu.VMEM((_S, _EMB), jnp.float32),
            pltpu.VMEM((_CROWS, _EMB), jnp.float32),
            pltpu.VMEM((_CROWS, _EMB), jnp.float32),
            pltpu.SemaphoreType.DMA,
            pltpu.SemaphoreType.DMA,
            pltpu.SemaphoreType.DMA,
        ],
    )
    def k(seq_hbm, tok_hbm, pos_hbm, out_hbm, idxb, pos_v, buf0, buf1,
          sem_i, sem_g, sem_o):
        wid = lax.axis_index("s") * 2 + lax.axis_index("c")
        base = wid * _PER_W
        pltpu.sync_copy(pos_hbm.at[pl.ds(0, _S)], pos_v)
        bufs = (buf0, buf1)

        def idx_desc(c):
            return pltpu.make_async_copy(
                seq_hbm.at[pl.ds(base + c * _CROWS, _CROWS)],
                idxb.at[pl.ds((c % _ISLOTS) * _CROWS, _CROWS)], sem_i)

        def gather_descs(c, buf):
            sbase = (c % _ISLOTS) * _CROWS
            ds = []
            for off, n in ((0, 128), (128, 128), (256, 128), (384, 16)):
                ds.append(pltpu.make_async_copy(
                    tok_hbm.at[idxb.at[pl.ds(sbase + off, n)]],
                    buf.at[pl.ds(off, n)], sem_g))
            return ds

        def out_desc(c, buf):
            return pltpu.make_async_copy(
                buf, out_hbm.at[pl.ds(base + c * _CROWS, _CROWS)], sem_o)

        def gather_start(c, buf):
            for d in gather_descs(c, buf):
                d.start()

        def gather_wait(c, buf):
            for d in gather_descs(c, buf):
                d.wait()

        def add_pos(buf):
            def row_body(r, carry):
                for kk in range(_EMB // 16):
                    sl = pl.ds(kk * 16, 16)
                    pv = pos_v[r, sl]
                    plsc.addupdate(buf.at[r, sl], pv)
                    plsc.addupdate(buf.at[r + _S, sl], pv)
                return carry

            lax.fori_loop(0, _S, row_body, 0)

        for c0 in range(3):
            idx_desc(c0).start()
        idx_desc(0).wait()
        gather_start(0, bufs[0])

        def pair_body(t, carry):
            for b in range(2):
                c = 2 * t + b
                buf = bufs[b]
                other = bufs[1 - b]
                gather_wait(c, buf)

                @pl.when(c <= _CHUNKS - 2)
                def _prefetch():
                    idx_desc(c + 1).wait()

                    @pl.when(c >= 1)
                    def _free_buf():
                        out_desc(c - 1, other).wait()

                    gather_start(c + 1, other)

                @pl.when(c + 3 <= _CHUNKS - 1)
                def _stage_idx():
                    idx_desc(c + 3).start()

                add_pos(buf)
                out_desc(c, buf).start()
            return carry

        lax.fori_loop(0, _CHUNKS // 2, pair_body, 0)
        out_desc(_CHUNKS - 2, bufs[0]).wait()
        out_desc(_CHUNKS - 1, bufs[1]).wait()

    return k(seq_flat, tok_table, pos_table)


def kernel(seq, tok_table, pos_table):
    out = _sc_embed(seq.reshape(-1), tok_table, pos_table)
    return out.reshape(_B, _S, _EMB)

# --- scband reference (transcript-rebuilt; emitter-appended) ---
"""Pipeline reference for scband-bertembeddings-59768764891559 (READ-ONLY COPY).

The authoritative reference and input builder live on the scoring server;
editing this copy changes nothing except your own understanding.
"""

import jax, jax.numpy as jnp
import numpy as np

VOCAB = 100000
EMB = 128
MAX_LEN = 512
B, S = 4096, 200

def setup_inputs(seed: int = 0) -> dict:
    key = jax.random.key(seed)
    k1, k2, k3 = jax.random.split(key, 3)
    seq = jax.random.randint(k1, (B, S), 0, VOCAB, dtype=jnp.int64 if jax.config.jax_enable_x64 else jnp.int32).astype(jnp.int32)
    tok_table = jax.random.normal(k2, (VOCAB, EMB), dtype=jnp.float32)
    # padding_idx = vocab_size - 1 is initialized to zeros in torch
    tok_table = tok_table.at[VOCAB - 1].set(0.0)
    pos_table = jax.random.normal(k3, (MAX_LEN, EMB), dtype=jnp.float32)
    return {"seq": seq, "tok_table": tok_table, "pos_table": pos_table}

def reference(seq, tok_table, pos_table):
    batch_size, seq_length = seq.shape
    position_ids = jnp.arange(seq_length, dtype=seq.dtype)
    token_embeddings = jnp.take(tok_table, seq, axis=0)
    position_embeddings = jnp.take(pos_table, position_ids, axis=0)[None, :, :]
    embeddings = token_embeddings + position_embeddings
    # dropout is identity in eval / deterministic reference
    return embeddings

if __name__ == "__main__":
    import jax
    _d = setup_inputs()
    print(jax.jit(kernel)(*tuple(_d.values())))

</pallas_src>

<mosaic_0001>
#map = affine_map<(d0, d1) -> (0)>
#map1 = affine_map<(d0, d1) -> (0, 0)>
module attributes {stable_mosaic.version = 14 : i64} {
  func.func @k(%arg0: i32, %arg1: i32, %arg2: memref<819200xi32, #tpu.memory_space<hbm>>, %arg3: memref<100000x128xf32, #tpu.memory_space<hbm>>, %arg4: memref<512x128xf32, #tpu.memory_space<hbm>>, %arg5: memref<819200x128xf32, #tpu.memory_space<hbm>>, %arg6: memref<1600xi32, #tpu.memory_space<vmem>>, %arg7: memref<200x128xf32, #tpu.memory_space<vmem>>, %arg8: memref<400x128xf32, #tpu.memory_space<vmem>>, %arg9: memref<400x128xf32, #tpu.memory_space<vmem>>, %arg10: memref<!tpu.dma_semaphore, #tpu.memory_space<semaphore_mem>>, %arg11: memref<!tpu.dma_semaphore, #tpu.memory_space<semaphore_mem>>, %arg12: memref<!tpu.dma_semaphore, #tpu.memory_space<semaphore_mem>>) attributes {dimension_semantics = [#tpu.dimension_semantics<core_parallel>, #tpu.dimension_semantics<subcore_parallel>], iteration_bounds = array<i64: 2, 16>, scalar_prefetch = 0 : i64, scratch_operands = 7 : i64, tpu.core_type = #tpu.core_type<sc_vector_subcore>, window_params = [{transform_indices = #map}, {transform_indices = #map1}, {transform_indices = #map1}, {transform_indices = #map1}]} {
    %mul3A = arith.constant 2 : i32
    %mul3A_0 = arith.muli %arg1, %mul3A : i32
    %add3A = arith.addi %mul3A_0, %arg0 : i32
    %mul3A_1 = arith.constant 25600 : i32
    %mul3A_2 = arith.muli %add3A, %mul3A_1 : i32
    "tpu.region"() ({
      %run_scoped3A = tpu.sem_alloc : memref<!tpu.dma_semaphore, #tpu.memory_space<semaphore_mem>>
      %dma_start3A_82 = arith.constant 0 : i32
      %dma_start3A_83 = arith.constant 0 : i32
      %dma_start3A_84 = tpu.memref_slice %arg4[%dma_start3A_82, %dma_start3A_83] : memref<512x128xf32, #tpu.memory_space<hbm>> -> memref<200x128xf32, #tpu.memory_space<hbm>>
      %dma_start3A_85 = arith.constant 0 : i32
      %dma_start3A_86 = arith.constant 0 : i32
      %dma_start3A_87 = tpu.memref_slice %arg4[%dma_start3A_85, %dma_start3A_86] : memref<512x128xf32, #tpu.memory_space<hbm>> -> memref<200x128xf32, #tpu.memory_space<hbm>>
      tpu.enqueue_dma source(%dma_start3A_87 : memref<200x128xf32, #tpu.memory_space<hbm>>) target(%arg7 : memref<200x128xf32, #tpu.memory_space<vmem>>) target_semaphore(%run_scoped3A : memref<!tpu.dma_semaphore, #tpu.memory_space<semaphore_mem>>)
      %dma_wait3A_88 = arith.constant 0 : i32
      %dma_wait3A_89 = arith.constant 0 : i32
      %dma_wait3A_90 = tpu.memref_slice %arg4[%dma_wait3A_88, %dma_wait3A_89] : memref<512x128xf32, #tpu.memory_space<hbm>> -> memref<200x128xf32, #tpu.memory_space<hbm>>
      %dma_wait3A_91 = arith.constant 0 : i32
      %dma_wait3A_92 = arith.constant 0 : i32
      %dma_wait3A_93 = tpu.memref_slice %arg4[%dma_wait3A_91, %dma_wait3A_92] : memref<512x128xf32, #tpu.memory_space<hbm>> -> memref<200x128xf32, #tpu.memory_space<hbm>>
      tpu.wait_dma2 semaphore(%run_scoped3A : memref<!tpu.dma_semaphore, #tpu.memory_space<semaphore_mem>>) src(%dma_wait3A_93 : memref<200x128xf32, #tpu.memory_space<hbm>>) dst(%arg7 : memref<200x128xf32, #tpu.memory_space<vmem>>)
      tpu.yield
    }) : () -> ()
    %add3A_3 = arith.constant 0 : i32
    %add3A_4 = arith.addi %mul3A_2, %add3A_3 : i32
    %dma_start3A = arith.constant 0 : i32
    %dma_start3A_5 = tpu.memref_slice %arg6[%dma_start3A] : memref<1600xi32, #tpu.memory_space<vmem>> -> memref<400xi32, #tpu.memory_space<vmem>>
    %dma_start3A_6 = tpu.memref_slice %arg2[%add3A_4] : memref<819200xi32, #tpu.memory_space<hbm>> -> memref<400xi32, #tpu.memory_space<hbm>>
    %dma_start3A_7 = arith.constant 0 : i32
    %dma_start3A_8 = tpu.memref_slice %arg6[%dma_start3A_7] : memref<1600xi32, #tpu.memory_space<vmem>> -> memref<400xi32, #tpu.memory_space<vmem>>
    %dma_start3A_9 = tpu.memref_slice %arg2[%add3A_4] : memref<819200xi32, #tpu.memory_space<hbm>> -> memref<400xi32, #tpu.memory_space<hbm>>
    tpu.enqueue_dma source(%dma_start3A_9 : memref<400xi32, #tpu.memory_space<hbm>>) target(%dma_start3A_8 : memref<400xi32, #tpu.memory_space<vmem>>) target_semaphore(%arg10 : memref<!tpu.dma_semaphore, #tpu.memory_space<semaphore_mem>>)
    %add3A_10 = arith.constant 400 : i32
    %add3A_11 = arith.addi %mul3A_2, %add3A_10 : i32
    %dma_start3A_12 = arith.constant 400 : i32
    %dma_start3A_13 = tpu.memref_slice %arg6[%dma_start3A_12] : memref<1600xi32, #tpu.memory_space<vmem>> -> memref<400xi32, #tpu.memory_space<vmem>>
    %dma_start3A_14 = tpu.memref_slice %arg2[%add3A_11] : memref<819200xi32, #tpu.memory_space<hbm>> -> memref<400xi32, #tpu.memory_space<hbm>>
    %dma_start3A_15 = arith.constant 400 : i32
    %dma_start3A_16 = tpu.memref_slice %arg6[%dma_start3A_15] : memref<1600xi32, #tpu.memory_space<vmem>> -> memref<400xi32, #tpu.memory_space<vmem>>
    %dma_start3A_17 = tpu.memref_slice %arg2[%add3A_11] : memref<819200xi32, #tpu.memory_space<hbm>> -> memref<400xi32, #tpu.memory_space<hbm>>
    tpu.enqueue_dma source(%dma_start3A_17 : memref<400xi32, #tpu.memory_space<hbm>>) target(%dma_start3A_16 : memref<400xi32, #tpu.memory_space<vmem>>) target_semaphore(%arg10 : memref<!tpu.dma_semaphore, #tpu.memory_space<semaphore_mem>>)
    %add3A_18 = arith.constant 800 : i32
    %add3A_19 = arith.addi %mul3A_2, %add3A_18 : i32
    %dma_start3A_20 = arith.constant 800 : i32
    %dma_start3A_21 = tpu.memref_slice %arg6[%dma_start3A_20] : memref<1600xi32, #tpu.memory_space<vmem>> -> memref<400xi32, #tpu.memory_space<vmem>>
    %dma_start3A_22 = tpu.memref_slice %arg2[%add3A_19] : memref<819200xi32, #tpu.memory_space<hbm>> -> memref<400xi32, #tpu.memory_space<hbm>>
    %dma_start3A_23 = arith.constant 800 : i32
    %dma_start3A_24 = tpu.memref_slice %arg6[%dma_start3A_23] : memref<1600xi32, #tpu.memory_space<vmem>> -> memref<400xi32, #tpu.memory_space<vmem>>
    %dma_start3A_25 = tpu.memref_slice %arg2[%add3A_19] : memref<819200xi32, #tpu.memory_space<hbm>> -> memref<400xi32, #tpu.memory_space<hbm>>
    tpu.enqueue_dma source(%dma_start3A_25 : memref<400xi32, #tpu.memory_space<hbm>>) target(%dma_start3A_24 : memref<400xi32, #tpu.memory_space<vmem>>) target_semaphore(%arg10 : memref<!tpu.dma_semaphore, #tpu.memory_space<semaphore_mem>>)
    %add3A_26 = arith.constant 0 : i32
    %add3A_27 = arith.addi %mul3A_2, %add3A_26 : i32
    %dma_wait3A = arith.constant 0 : i32
    %dma_wait3A_28 = tpu.memref_slice %arg6[%dma_wait3A] : memref<1600xi32, #tpu.memory_space<vmem>> -> memref<400xi32, #tpu.memory_space<vmem>>
    %dma_wait3A_29 = tpu.memref_slice %arg2[%add3A_27] : memref<819200xi32, #tpu.memory_space<hbm>> -> memref<400xi32, #tpu.memory_space<hbm>>
    %dma_wait3A_30 = arith.constant 0 : i32
    %dma_wait3A_31 = tpu.memref_slice %arg6[%dma_wait3A_30] : memref<1600xi32, #tpu.memory_space<vmem>> -> memref<400xi32, #tpu.memory_space<vmem>>
    %dma_wait3A_32 = tpu.memref_slice %arg2[%add3A_27] : memref<819200xi32, #tpu.memory_space<hbm>> -> memref<400xi32, #tpu.memory_space<hbm>>
    tpu.wait_dma2 semaphore(%arg10 : memref<!tpu.dma_semaphore, #tpu.memory_space<semaphore_mem>>) src(%dma_wait3A_32 : memref<400xi32, #tpu.memory_space<hbm>>) dst(%dma_wait3A_31 : memref<400xi32, #tpu.memory_space<vmem>>)
    %dma_start3A_33 = arith.constant 0 : i32
    %dma_start3A_34 = arith.constant 0 : i32
    %dma_start3A_35 = tpu.memref_slice %arg8[%dma_start3A_33, %dma_start3A_34] : memref<400x128xf32, #tpu.memory_space<vmem>> -> memref<128x128xf32, #tpu.memory_space<vmem>>
    %dma_start3A_36 = arith.constant 0 : i32
    %dma_start3A_37 = tpu.memref_slice %arg6[%dma_start3A_36] : memref<1600xi32, #tpu.memory_space<vmem>> -> memref<128xi32, #tpu.memory_space<vmem>>
    %dma_start3A_38 = arith.constant 0 : i32
    %dma_start3A_39 = arith.constant 0 : i32
    %dma_start3A_40 = tpu.memref_slice %arg3[%dma_start3A_38, %dma_start3A_39] : memref<100000x128xf32, #tpu.memory_space<hbm>> -> memref<100000x128xf32, #tpu.memory_space<hbm>>
    tpu.enqueue_indirect_dma source(%dma_start3A_40 : memref<100000x128xf32, #tpu.memory_space<hbm>>) target(%dma_start3A_35 : memref<128x128xf32, #tpu.memory_space<vmem>>) offsets(%dma_start3A_37 : memref<128xi32, #tpu.memory_space<vmem>>) semaphore(%arg11 : memref<!tpu.dma_semaphore, #tpu.memory_space<semaphore_mem>>)
    %dma_start3A_41 = arith.constant 128 : i32
    %dma_start3A_42 = arith.constant 0 : i32
    %dma_start3A_43 = tpu.memref_slice %arg8[%dma_start3A_41, %dma_start3A_42] : memref<400x128xf32, #tpu.memory_space<vmem>> -> memref<128x128xf32, #tpu.memory_space<vmem>>
    %dma_start3A_44 = arith.constant 128 : i32
    %dma_start3A_45 = tpu.memref_slice %arg6[%dma_start3A_44] : memref<1600xi32, #tpu.memory_space<vmem>> -> memref<128xi32, #tpu.memory_space<vmem>>
    %dma_start3A_46 = arith.constant 0 : i32
    %dma_start3A_47 = arith.constant 0 : i32
    %dma_start3A_48 = tpu.memref_slice %arg3[%dma_start3A_46, %dma_start3A_47] : memref<100000x128xf32, #tpu.memory_space<hbm>> -> memref<100000x128xf32, #tpu.memory_space<hbm>>
    tpu.enqueue_indirect_dma source(%dma_start3A_48 : memref<100000x128xf32, #tpu.memory_space<hbm>>) target(%dma_start3A_43 : memref<128x128xf32, #tpu.memory_space<vmem>>) offsets(%dma_start3A_45 : memref<128xi32, #tpu.memory_space<vmem>>) semaphore(%arg11 : memref<!tpu.dma_semaphore, #tpu.memory_space<semaphore_mem>>)
    %dma_start3A_49 = arith.constant 256 : i32
    %dma_start3A_50 = arith.constant 0 : i32
    %dma_start3A_51 = tpu.memref_slice %arg8[%dma_start3A_49, %dma_start3A_50] : memref<400x128xf32, #tpu.memory_space<vmem>> -> memref<128x128xf32, #tpu.memory_space<vmem>>
    %dma_start3A_52 = arith.constant 256 : i32
    %dma_start3A_53 = tpu.memref_slice %arg6[%dma_start3A_52] : memref<1600xi32, #tpu.memory_space<vmem>> -> memref<128xi32, #tpu.memory_space<vmem>>
    %dma_start3A_54 = arith.constant 0 : i32
    %dma_start3A_55 = arith.constant 0 : i32
    %dma_start3A_56 = tpu.memref_slice %arg3[%dma_start3A_54, %dma_start3A_55] : memref<100000x128xf32, #tpu.memory_space<hbm>> -> memref<100000x128xf32, #tpu.memory_space<hbm>>
    tpu.enqueue_indirect_dma source(%dma_start3A_56 : memref<100000x128xf32, #tpu.memory_space<hbm>>) target(%dma_start3A_51 : memref<128x128xf32, #tpu.memory_space<vmem>>) offsets(%dma_start3A_53 : memref<128xi32, #tpu.memory_space<vmem>>) semaphore(%arg11 : memref<!tpu.dma_semaphore, #tpu.memory_space<semaphore_mem>>)
    %dma_start3A_57 = arith.constant 384 : i32
    %dma_start3A_58 = arith.constant 0 : i32
    %dma_start3A_59 = tpu.memref_slice %arg8[%dma_start3A_57, %dma_start3A_58] : memref<400x128xf32, #tpu.memory_space<vmem>> -> memref<16x128xf32, #tpu.memory_space<vmem>>
    %dma_start3A_60 = arith.constant 384 : i32
    %dma_start3A_61 = tpu.memref_slice %arg6[%dma_start3A_60] : memref<1600xi32, #tpu.memory_space<vmem>> -> memref<16xi32, #tpu.memory_space<vmem>>
    %dma_start3A_62 = arith.constant 0 : i32
    %dma_start3A_63 = arith.constant 0 : i32
    %dma_start3A_64 = tpu.memref_slice %arg3[%dma_start3A_62, %dma_start3A_63] : memref<100000x128xf32, #tpu.memory_space<hbm>> -> memref<100000x128xf32, #tpu.memory_space<hbm>>
    tpu.enqueue_indirect_dma source(%dma_start3A_64 : memref<100000x128xf32, #tpu.memory_space<hbm>>) target(%dma_start3A_59 : memref<16x128xf32, #tpu.memory_space<vmem>>) offsets(%dma_start3A_61 : memref<16xi32, #tpu.memory_space<vmem>>) semaphore(%arg11 : memref<!tpu.dma_semaphore, #tpu.memory_space<semaphore_mem>>)
    %scan3A = arith.constant 0 : i32
    %scan3A_65 = arith.constant 0 : i32
    %scan3A_66 = arith.constant 32 : i32
    %scan3A_67 = arith.addi %scan3A_65, %scan3A_66 : i32
    %scan3A_68 = arith.constant 1 : i32
    scf.for %scan3A_82 = %scan3A_65 to %scan3A_67 step %scan3A_68  : i32 {
      %mul3A_83 = arith.constant 2 : i32
      %mul3A_84 = arith.muli %mul3A_83, %scan3A_82 : i32
      %add3A_85 = arith.constant 0 : i32
      %add3A_86 = arith.addi %mul3A_84, %add3A_85 : i32
      %jit3A = arith.constant 4 : i32
      %eq3A = arith.constant 0 : i32
      %eq3A_87 = arith.cmpi eq, %jit3A, %eq3A : i32
      %jit3A_88 = arith.constant 1 : i32
      %select_n3A = arith.select %eq3A_87, %jit3A_88, %jit3A : i32
      %rem3A = arith.remsi %add3A_86, %select_n3A : i32
      %ne3A = arith.constant 0 : i32
      %ne3A_89 = arith.cmpi ne, %rem3A, %ne3A : i32
      %lt3A = arith.constant 0 : i32
      %lt3A_90 = arith.cmpi slt, %rem3A, %lt3A : i32
      %lt3A_91 = arith.constant 0 : i32
      %lt3A_92 = arith.cmpi slt, %select_n3A, %lt3A_91 : i32
      %ne3A_93 = arith.xori %lt3A_90, %lt3A_92 : i1
      %and3A = arith.andi %ne3A_93, %ne3A_89 : i1
      %add3A_94 = arith.addi %rem3A, %select_n3A : i32
      %select_n3A_95 = arith.select %and3A, %add3A_94, %rem3A : i32
      %mul3A_96 = arith.constant 400 : i32
      %mul3A_97 = arith.muli %select_n3A_95, %mul3A_96 : i32
      %add3A_98 = arith.constant 0 : i32
      %add3A_99 = arith.addi %mul3A_97, %add3A_98 : i32
      %add3A_100 = arith.constant 128 : i32
      %add3A_101 = arith.addi %mul3A_97, %add3A_100 : i32
      %add3A_102 = arith.constant 256 : i32
      %add3A_103 = arith.addi %mul3A_97, %add3A_102 : i32
      %add3A_104 = arith.constant 384 : i32
      %add3A_105 = arith.addi %mul3A_97, %add3A_104 : i32
      %dma_wait3A_106 = arith.constant 0 : i32
      %dma_wait3A_107 = arith.constant 0 : i32
      %dma_wait3A_108 = tpu.memref_slice %arg8[%dma_wait3A_106, %dma_wait3A_107] : memref<400x128xf32, #tpu.memory_space<vmem>> -> memref<128x128xf32, #tpu.memory_space<vmem>>
      %dma_wait3A_109 = tpu.memref_slice %arg6[%add3A_99] : memref<1600xi32, #tpu.memory_space<vmem>> -> memref<128xi32, #tpu.memory_space<vmem>>
      %dma_wait3A_110 = arith.constant 0 : i32
      %dma_wait3A_111 = arith.constant 0 : i32
      %dma_wait3A_112 = tpu.memref_slice %arg3[%dma_wait3A_110, %dma_wait3A_111] : memref<100000x128xf32, #tpu.memory_space<hbm>> -> memref<100000x128xf32, #tpu.memory_space<hbm>>
      tpu.wait_indirect_dma semaphore(%arg11 : memref<!tpu.dma_semaphore, #tpu.memory_space<semaphore_mem>>) src(%dma_wait3A_112 : memref<100000x128xf32, #tpu.memory_space<hbm>>) dst(%dma_wait3A_108 : memref<128x128xf32, #tpu.memory_space<vmem>>)
      %dma_wait3A_113 = arith.constant 128 : i32
      %dma_wait3A_114 = arith.constant 0 : i32
      %dma_wait3A_115 = tpu.memref_slice %arg8[%dma_wait3A_113, %dma_wait3A_114] : memref<400x128xf32, #tpu.memory_space<vmem>> -> memref<128x128xf32, #tpu.memory_space<vmem>>
      %dma_wait3A_116 = tpu.memref_slice %arg6[%add3A_101] : memref<1600xi32, #tpu.memory_space<vmem>> -> memref<128xi32, #tpu.memory_space<vmem>>
      %dma_wait3A_117 = arith.constant 0 : i32
      %dma_wait3A_118 = arith.constant 0 : i32
      %dma_wait3A_119 = tpu.memref_slice %arg3[%dma_wait3A_117, %dma_wait3A_118] : memref<100000x128xf32, #tpu.memory_space<hbm>> -> memref<100000x128xf32, #tpu.memory_space<hbm>>
      tpu.wait_indirect_dma semaphore(%arg11 : memref<!tpu.dma_semaphore, #tpu.memory_space<semaphore_mem>>) src(%dma_wait3A_119 : memref<100000x128xf32, #tpu.memory_space<hbm>>) dst(%dma_wait3A_115 : memref<128x128xf32, #tpu.memory_space<vmem>>)
      %dma_wait3A_120 = arith.constant 256 : i32
      %dma_wait3A_121 = arith.constant 0 : i32
      %dma_wait3A_122 = tpu.memref_slice %arg8[%dma_wait3A_120, %dma_wait3A_121] : memref<400x128xf32, #tpu.memory_space<vmem>> -> memref<128x128xf32, #tpu.memory_space<vmem>>
      %dma_wait3A_123 = tpu.memref_slice %arg6[%add3A_103] : memref<1600xi32, #tpu.memory_space<vmem>> -> memref<128xi32, #tpu.memory_space<vmem>>
      %dma_wait3A_124 = arith.constant 0 : i32
      %dma_wait3A_125 = arith.constant 0 : i32
      %dma_wait3A_126 = tpu.memref_slice %arg3[%dma_wait3A_124, %dma_wait3A_125] : memref<100000x128xf32, #tpu.memory_space<hbm>> -> memref<100000x128xf32, #tpu.memory_space<hbm>>
      tpu.wait_indirect_dma semaphore(%arg11 : memref<!tpu.dma_semaphore, #tpu.memory_space<semaphore_mem>>) src(%dma_wait3A_126 : memref<100000x128xf32, #tpu.memory_space<hbm>>) dst(%dma_wait3A_122 : memref<128x128xf32, #tpu.memory_space<vmem>>)
      %dma_wait3A_127 = arith.constant 384 : i32
      %dma_wait3A_128 = arith.constant 0 : i32
      %dma_wait3A_129 = tpu.memref_slice %arg8[%dma_wait3A_127, %dma_wait3A_128] : memref<400x128xf32, #tpu.memory_space<vmem>> -> memref<16x128xf32, #tpu.memory_space<vmem>>
      %dma_wait3A_130 = tpu.memref_slice %arg6[%add3A_105] : memref<1600xi32, #tpu.memory_space<vmem>> -> memref<16xi32, #tpu.memory_space<vmem>>
      %dma_wait3A_131 = arith.constant 0 : i32
      %dma_wait3A_132 = arith.constant 0 : i32
      %dma_wait3A_133 = tpu.memref_slice %arg3[%dma_wait3A_131, %dma_wait3A_132] : memref<100000x128xf32, #tpu.memory_space<hbm>> -> memref<100000x128xf32, #tpu.memory_space<hbm>>
      tpu.wait_indirect_dma semaphore(%arg11 : memref<!tpu.dma_semaphore, #tpu.memory_space<semaphore_mem>>) src(%dma_wait3A_133 : memref<100000x128xf32, #tpu.memory_space<hbm>>) dst(%dma_wait3A_129 : memref<16x128xf32, #tpu.memory_space<vmem>>)
      %le3A = arith.constant 62 : i32
      %le3A_134 = arith.cmpi sle, %add3A_86, %le3A : i32
      %convert_element_type3A = arith.extui %le3A_134 : i1 to i32
      %cond3A = arith.constant 0 : i32
      %cond3A_135 = arith.cmpi ne, %convert_element_type3A, %cond3A : i32
      scf.if %cond3A_135 {
        %add3A_239 = arith.constant 1 : i32
        %add3A_240 = arith.addi %add3A_86, %add3A_239 : i32
        %mul3A_241 = arith.constant 400 : i32
        %mul3A_242 = arith.muli %add3A_240, %mul3A_241 : i32
        %add3A_243 = arith.addi %mul3A_2, %mul3A_242 : i32
        %jit3A_244 = arith.constant 4 : i32
        %eq3A_245 = arith.constant 0 : i32
        %eq3A_246 = arith.cmpi eq, %jit3A_244, %eq3A_245 : i32
        %jit3A_247 = arith.constant 1 : i32
        %select_n3A_248 = arith.select %eq3A_246, %jit3A_247, %jit3A_244 : i32
        %rem3A_249 = arith.remsi %add3A_240, %select_n3A_248 : i32
        %ne3A_250 = arith.constant 0 : i32
        %ne3A_251 = arith.cmpi ne, %rem3A_249, %ne3A_250 : i32
        %lt3A_252 = arith.constant 0 : i32
        %lt3A_253 = arith.cmpi slt, %rem3A_249, %lt3A_252 : i32
        %lt3A_254 = arith.constant 0 : i32
        %lt3A_255 = arith.cmpi slt, %select_n3A_248, %lt3A_254 : i32
        %ne3A_256 = arith.xori %lt3A_253, %lt3A_255 : i1
        %and3A_257 = arith.andi %ne3A_256, %ne3A_251 : i1
        %add3A_258 = arith.addi %rem3A_249, %select_n3A_248 : i32
        %select_n3A_259 = arith.select %and3A_257, %add3A_258, %rem3A_249 : i32
        %mul3A_260 = arith.constant 400 : i32
        %mul3A_261 = arith.muli %select_n3A_259, %mul3A_260 : i32
        %dma_wait3A_262 = tpu.memref_slice %arg6[%mul3A_261] : memref<1600xi32, #tpu.memory_space<vmem>> -> memref<400xi32, #tpu.memory_space<vmem>>
        %dma_wait3A_263 = tpu.memref_slice %arg2[%add3A_243] : memref<819200xi32, #tpu.memory_space<hbm>> -> memref<400xi32, #tpu.memory_space<hbm>>
        %dma_wait3A_264 = tpu.memref_slice %arg6[%mul3A_261] : memref<1600xi32, #tpu.memory_space<vmem>> -> memref<400xi32, #tpu.memory_space<vmem>>
        %dma_wait3A_265 = tpu.memref_slice %arg2[%add3A_243] : memref<819200xi32, #tpu.memory_space<hbm>> -> memref<400xi32, #tpu.memory_space<hbm>>
        tpu.wait_dma2 semaphore(%arg10 : memref<!tpu.dma_semaphore, #tpu.memory_space<semaphore_mem>>) src(%dma_wait3A_265 : memref<400xi32, #tpu.memory_space<hbm>>) dst(%dma_wait3A_264 : memref<400xi32, #tpu.memory_space<vmem>>)
        %ge3A = arith.constant 1 : i32
        %ge3A_266 = arith.cmpi sge, %add3A_86, %ge3A : i32
        %convert_element_type3A_267 = arith.extui %ge3A_266 : i1 to i32
        %cond3A_268 = arith.constant 0 : i32
        %cond3A_269 = arith.cmpi ne, %convert_element_type3A_267, %cond3A_268 : i32
        scf.if %cond3A_269 {
          %sub3A = arith.constant 1 : i32
          %sub3A_326 = arith.subi %add3A_86, %sub3A : i32
          %mul3A_327 = arith.constant 400 : i32
          %mul3A_328 = arith.muli %sub3A_326, %mul3A_327 : i32
          %add3A_329 = arith.addi %mul3A_2, %mul3A_328 : i32
          %dma_wait3A_330 = arith.constant 0 : i32
          %dma_wait3A_331 = tpu.memref_slice %arg5[%add3A_329, %dma_wait3A_330] : memref<819200x128xf32, #tpu.memory_space<hbm>> -> memref<400x128xf32, #tpu.memory_space<hbm>>
          %dma_wait3A_332 = arith.constant 0 : i32
          %dma_wait3A_333 = tpu.memref_slice %arg5[%add3A_329, %dma_wait3A_332] : memref<819200x128xf32, #tpu.memory_space<hbm>> -> memref<400x128xf32, #tpu.memory_space<hbm>>
          tpu.wait_dma2 semaphore(%arg12 : memref<!tpu.dma_semaphore, #tpu.memory_space<semaphore_mem>>) src(%arg9 : memref<400x128xf32, #tpu.memory_space<vmem>>) dst(%dma_wait3A_333 : memref<400x128xf32, #tpu.memory_space<hbm>>)
        } else {
        }
        %add3A_270 = arith.constant 1 : i32
        %add3A_271 = arith.addi %add3A_86, %add3A_270 : i32
        %jit3A_272 = arith.constant 4 : i32
        %eq3A_273 = arith.constant 0 : i32
        %eq3A_274 = arith.cmpi eq, %jit3A_272, %eq3A_273 : i32
        %jit3A_275 = arith.constant 1 : i32
        %select_n3A_276 = arith.select %eq3A_274, %jit3A_275, %jit3A_272 : i32
        %rem3A_277 = arith.remsi %add3A_271, %select_n3A_276 : i32
        %ne3A_278 = arith.constant 0 : i32
        %ne3A_279 = arith.cmpi ne, %rem3A_277, %ne3A_278 : i32
        %lt3A_280 = arith.constant 0 : i32
        %lt3A_281 = arith.cmpi slt, %rem3A_277, %lt3A_280 : i32
        %lt3A_282 = arith.constant 0 : i32
        %lt3A_283 = arith.cmpi slt, %select_n3A_276, %lt3A_282 : i32
        %ne3A_284 = arith.xori %lt3A_281, %lt3A_283 : i1
        %and3A_285 = arith.andi %ne3A_284, %ne3A_279 : i1
        %add3A_286 = arith.addi %rem3A_277, %select_n3A_276 : i32
        %select_n3A_287 = arith.select %and3A_285, %add3A_286, %rem3A_277 : i32
        %mul3A_288 = arith.constant 400 : i32
        %mul3A_289 = arith.muli %select_n3A_287, %mul3A_288 : i32
        %add3A_290 = arith.constant 0 : i32
        %add3A_291 = arith.addi %mul3A_289, %add3A_290 : i32
        %add3A_292 = arith.constant 128 : i32
        %add3A_293 = arith.addi %mul3A_289, %add3A_292 : i32
        %add3A_294 = arith.constant 256 : i32
        %add3A_295 = arith.addi %mul3A_289, %add3A_294 : i32
        %add3A_296 = arith.constant 384 : i32
        %add3A_297 = arith.addi %mul3A_289, %add3A_296 : i32
        %dma_start3A_298 = arith.constant 0 : i32
        %dma_start3A_299 = arith.constant 0 : i32
        %dma_start3A_300 = tpu.memref_slice %arg9[%dma_start3A_298, %dma_start3A_299] : memref<400x128xf32, #tpu.memory_space<vmem>> -> memref<128x128xf32, #tpu.memory_space<vmem>>
        %dma_start3A_301 = tpu.memref_slice %arg6[%add3A_291] : memref<1600xi32, #tpu.memory_space<vmem>> -> memref<128xi32, #tpu.memory_space<vmem>>
        %dma_start3A_302 = arith.constant 0 : i32
        %dma_start3A_303 = arith.constant 0 : i32
        %dma_start3A_304 = tpu.memref_slice %arg3[%dma_start3A_302, %dma_start3A_303] : memref<100000x128xf32, #tpu.memory_space<hbm>> -> memref<100000x128xf32, #tpu.memory_space<hbm>>
        tpu.enqueue_indirect_dma source(%dma_start3A_304 : memref<100000x128xf32, #tpu.memory_space<hbm>>) target(%dma_start3A_300 : memref<128x128xf32, #tpu.memory_space<vmem>>) offsets(%dma_start3A_301 : memref<128xi32, #tpu.memory_space<vmem>>) semaphore(%arg11 : memref<!tpu.dma_semaphore, #tpu.memory_space<semaphore_mem>>)
        %dma_start3A_305 = arith.constant 128 : i32
        %dma_start3A_306 = arith.constant 0 : i32
        %dma_start3A_307 = tpu.memref_slice %arg9[%dma_start3A_305, %dma_start3A_306] : memref<400x128xf32, #tpu.memory_space<vmem>> -> memref<128x128xf32, #tpu.memory_space<vmem>>
        %dma_start3A_308 = tpu.memref_slice %arg6[%add3A_293] : memref<1600xi32, #tpu.memory_space<vmem>> -> memref<128xi32, #tpu.memory_space<vmem>>
        %dma_start3A_309 = arith.constant 0 : i32
        %dma_start3A_310 = arith.constant 0 : i32
        %dma_start3A_311 = tpu.memref_slice %arg3[%dma_start3A_309, %dma_start3A_310] : memref<100000x128xf32, #tpu.memory_space<hbm>> -> memref<100000x128xf32, #tpu.memory_space<hbm>>
        tpu.enqueue_indirect_dma source(%dma_start3A_311 : memref<100000x128xf32, #tpu.memory_space<hbm>>) target(%dma_start3A_307 : memref<128x128xf32, #tpu.memory_space<vmem>>) offsets(%dma_start3A_308 : memref<128xi32, #tpu.memory_space<vmem>>) semaphore(%arg11 : memref<!tpu.dma_semaphore, #tpu.memory_space<semaphore_mem>>)
        %dma_start3A_312 = arith.constant 256 : i32
        %dma_start3A_313 = arith.constant 0 : i32
        %dma_start3A_314 = tpu.memref_slice %arg9[%dma_start3A_312, %dma_start3A_313] : memref<400x128xf32, #tpu.memory_space<vmem>> -> memref<128x128xf32, #tpu.memory_space<vmem>>
        %dma_start3A_315 = tpu.memref_slice %arg6[%add3A_295] : memref<1600xi32, #tpu.memory_space<vmem>> -> memref<128xi32, #tpu.memory_space<vmem>>
        %dma_start3A_316 = arith.constant 0 : i32
        %dma_start3A_317 = arith.constant 0 : i32
        %dma_start3A_318 = tpu.memref_slice %arg3[%dma_start3A_316, %dma_start3A_317] : memref<100000x128xf32, #tpu.memory_space<hbm>> -> memref<100000x128xf32, #tpu.memory_space<hbm>>
        tpu.enqueue_indirect_dma source(%dma_start3A_318 : memref<100000x128xf32, #tpu.memory_space<hbm>>) target(%dma_start3A_314 : memref<128x128xf32, #tpu.memory_space<vmem>>) offsets(%dma_start3A_315 : memref<128xi32, #tpu.memory_space<vmem>>) semaphore(%arg11 : memref<!tpu.dma_semaphore, #tpu.memory_space<semaphore_mem>>)
        %dma_start3A_319 = arith.constant 384 : i32
        %dma_start3A_320 = arith.constant 0 : i32
        %dma_start3A_321 = tpu.memref_slice %arg9[%dma_start3A_319, %dma_start3A_320] : memref<400x128xf32, #tpu.memory_space<vmem>> -> memref<16x128xf32, #tpu.memory_space<vmem>>
        %dma_start3A_322 = tpu.memref_slice %arg6[%add3A_297] : memref<1600xi32, #tpu.memory_space<vmem>> -> memref<16xi32, #tpu.memory_space<vmem>>
        %dma_start3A_323 = arith.constant 0 : i32
        %dma_start3A_324 = arith.constant 0 : i32
        %dma_start3A_325 = tpu.memref_slice %arg3[%dma_start3A_323, %dma_start3A_324] : memref<100000x128xf32, #tpu.memory_space<hbm>> -> memref<100000x128xf32, #tpu.memory_space<hbm>>
        tpu.enqueue_indirect_dma source(%dma_start3A_325 : memref<100000x128xf32, #tpu.memory_space<hbm>>) target(%dma_start3A_321 : memref<16x128xf32, #tpu.memory_space<vmem>>) offsets(%dma_start3A_322 : memref<16xi32, #tpu.memory_space<vmem>>) semaphore(%arg11 : memref<!tpu.dma_semaphore, #tpu.memory_space<semaphore_mem>>)
      } else {
      }
      %add3A_136 = arith.constant 3 : i32
      %add3A_137 = arith.addi %add3A_86, %add3A_136 : i32
      %le3A_138 = arith.constant 63 : i32
      %le3A_139 = arith.cmpi sle, %add3A_137, %le3A_138 : i32
      %convert_element_type3A_140 = arith.extui %le3A_139 : i1 to i32
      %cond3A_141 = arith.constant 0 : i32
      %cond3A_142 = arith.cmpi ne, %convert_element_type3A_140, %cond3A_141 : i32
      scf.if %cond3A_142 {
        %add3A_239 = arith.constant 3 : i32
        %add3A_240 = arith.addi %add3A_86, %add3A_239 : i32
        %mul3A_241 = arith.constant 400 : i32
        %mul3A_242 = arith.muli %add3A_240, %mul3A_241 : i32
        %add3A_243 = arith.addi %mul3A_2, %mul3A_242 : i32
        %jit3A_244 = arith.constant 4 : i32
        %eq3A_245 = arith.constant 0 : i32
        %eq3A_246 = arith.cmpi eq, %jit3A_244, %eq3A_245 : i32
        %jit3A_247 = arith.constant 1 : i32
        %select_n3A_248 = arith.select %eq3A_246, %jit3A_247, %jit3A_244 : i32
        %rem3A_249 = arith.remsi %add3A_240, %select_n3A_248 : i32
        %ne3A_250 = arith.constant 0 : i32
        %ne3A_251 = arith.cmpi ne, %rem3A_249, %ne3A_250 : i32
        %lt3A_252 = arith.constant 0 : i32
        %lt3A_253 = arith.cmpi slt, %rem3A_249, %lt3A_252 : i32
        %lt3A_254 = arith.constant 0 : i32
        %lt3A_255 = arith.cmpi slt, %select_n3A_248, %lt3A_254 : i32
        %ne3A_256 = arith.xori %lt3A_253, %lt3A_255 : i1
        %and3A_257 = arith.andi %ne3A_256, %ne3A_251 : i1
        %add3A_258 = arith.addi %rem3A_249, %select_n3A_248 : i32
        %select_n3A_259 = arith.select %and3A_257, %add3A_258, %rem3A_249 : i32
        %mul3A_260 = arith.constant 400 : i32
        %mul3A_261 = arith.muli %select_n3A_259, %mul3A_260 : i32
        %dma_start3A_262 = tpu.memref_slice %arg6[%mul3A_261] : memref<1600xi32, #tpu.memory_space<vmem>> -> memref<400xi32, #tpu.memory_space<vmem>>
        %dma_start3A_263 = tpu.memref_slice %arg2[%add3A_243] : memref<819200xi32, #tpu.memory_space<hbm>> -> memref<400xi32, #tpu.memory_space<hbm>>
        %dma_start3A_264 = tpu.memref_slice %arg6[%mul3A_261] : memref<1600xi32, #tpu.memory_space<vmem>> -> memref<400xi32, #tpu.memory_space<vmem>>
        %dma_start3A_265 = tpu.memref_slice %arg2[%add3A_243] : memref<819200xi32, #tpu.memory_space<hbm>> -> memref<400xi32, #tpu.memory_space<hbm>>
        tpu.enqueue_dma source(%dma_start3A_265 : memref<400xi32, #tpu.memory_space<hbm>>) target(%dma_start3A_264 : memref<400xi32, #tpu.memory_space<vmem>>) target_semaphore(%arg10 : memref<!tpu.dma_semaphore, #tpu.memory_space<semaphore_mem>>)
      } else {
      }
      %scan3A_143 = arith.constant 0 : i32
      %scan3A_144 = arith.constant 0 : i32
      %scan3A_145 = arith.constant 200 : i32
      %scan3A_146 = arith.addi %scan3A_144, %scan3A_145 : i32
      %scan3A_147 = arith.constant 1 : i32
      scf.for %scan3A_239 = %scan3A_144 to %scan3A_146 step %scan3A_147  : i32 {
        %get3A = arith.index_cast %scan3A_239 : i32 to index
        %get3A_240 = arith.constant 0 : index
        %get3A_241 = tpu.vector_load %arg7[%get3A, %get3A_240] {strides = array<i32>} : memref<200x128xf32, #tpu.memory_space<vmem>>, vector<1x16xf32>,
        %get3A_242 = vector.shape_cast %get3A_241 : vector<1x16xf32> to vector<16xf32>
        %swap3A = arith.index_cast %scan3A_239 : i32 to index
        %swap3A_243 = arith.constant 0 : index
        %swap3A_244 = tpu.vector_load %arg8[%swap3A, %swap3A_243] {strides = array<i32>} : memref<400x128xf32, #tpu.memory_space<vmem>>, vector<1x16xf32>,
        %swap3A_245 = vector.shape_cast %swap3A_244 : vector<1x16xf32> to vector<16xf32>
        %swap3A_246 = vector.shape_cast %get3A_242 : vector<16xf32> to vector<1x16xf32>
        tpu.vector_store %arg8[%swap3A, %swap3A_243], %swap3A_246 {add = true, strides = array<i32>} : memref<400x128xf32, #tpu.memory_space<vmem>>, vector<1x16xf32>,
        %add3A_247 = arith.constant 200 : i32
        %add3A_248 = arith.addi %scan3A_239, %add3A_247 : i32
        %swap3A_249 = arith.index_cast %add3A_248 : i32 to index
        %swap3A_250 = arith.constant 0 : index
        %swap3A_251 = tpu.vector_load %arg8[%swap3A_249, %swap3A_250] {strides = array<i32>} : memref<400x128xf32, #tpu.memory_space<vmem>>, vector<1x16xf32>,
        %swap3A_252 = vector.shape_cast %swap3A_251 : vector<1x16xf32> to vector<16xf32>
        %swap3A_253 = vector.shape_cast %get3A_242 : vector<16xf32> to vector<1x16xf32>
        tpu.vector_store %arg8[%swap3A_249, %swap3A_250], %swap3A_253 {add = true, strides = array<i32>} : memref<400x128xf32, #tpu.memory_space<vmem>>, vector<1x16xf32>,
        %get3A_254 = arith.index_cast %scan3A_239 : i32 to index
        %get3A_255 = arith.constant 16 : index
        %get3A_256 = tpu.vector_load %arg7[%get3A_254, %get3A_255] {strides = array<i32>} : memref<200x128xf32, #tpu.memory_space<vmem>>, vector<1x16xf32>,
        %get3A_257 = vector.shape_cast %get3A_256 : vector<1x16xf32> to vector<16xf32>
        %swap3A_258 = arith.index_cast %scan3A_239 : i32 to index
        %swap3A_259 = arith.constant 16 : index
        %swap3A_260 = tpu.vector_load %arg8[%swap3A_258, %swap3A_259] {strides = array<i32>} : memref<400x128xf32, #tpu.memory_space<vmem>>, vector<1x16xf32>,
        %swap3A_261 = vector.shape_cast %swap3A_260 : vector<1x16xf32> to vector<16xf32>
        %swap3A_262 = vector.shape_cast %get3A_257 : vector<16xf32> to vector<1x16xf32>
        tpu.vector_store %arg8[%swap3A_258, %swap3A_259], %swap3A_262 {add = true, strides = array<i32>} : memref<400x128xf32, #tpu.memory_space<vmem>>, vector<1x16xf32>,
        %add3A_263 = arith.constant 200 : i32
        %add3A_264 = arith.addi %scan3A_239, %add3A_263 : i32
        %swap3A_265 = arith.index_cast %add3A_264 : i32 to index
        %swap3A_266 = arith.constant 16 : index
        %swap3A_267 = tpu.vector_load %arg8[%swap3A_265, %swap3A_266] {strides = array<i32>} : memref<400x128xf32, #tpu.memory_space<vmem>>, vector<1x16xf32>,
        %swap3A_268 = vector.shape_cast %swap3A_267 : vector<1x16xf32> to vector<16xf32>
        %swap3A_269 = vector.shape_cast %get3A_257 : vector<16xf32> to vector<1x16xf32>
        tpu.vector_store %arg8[%swap3A_265, %swap3A_266], %swap3A_269 {add = true, strides = array<i32>} : memref<400x128xf32, #tpu.memory_space<vmem>>, vector<1x16xf32>,
        %get3A_270 = arith.index_cast %scan3A_239 : i32 to index
        %get3A_271 = arith.constant 32 : index
        %get3A_272 = tpu.vector_load %arg7[%get3A_270, %get3A_271] {strides = array<i32>} : memref<200x128xf32, #tpu.memory_space<vmem>>, vector<1x16xf32>,
        %get3A_273 = vector.shape_cast %get3A_272 : vector<1x16xf32> to vector<16xf32>
        %swap3A_274 = arith.index_cast %scan3A_239 : i32 to index
        %swap3A_275 = arith.constant 32 : index
        %swap3A_276 = tpu.vector_load %arg8[%swap3A_274, %swap3A_275] {strides = array<i32>} : memref<400x128xf32, #tpu.memory_space<vmem>>, vector<1x16xf32>,
        %swap3A_277 = vector.shape_cast %swap3A_276 : vector<1x16xf32> to vector<16xf32>
        %swap3A_278 = vector.shape_cast %get3A_273 : vector<16xf32> to vector<1x16xf32>
        tpu.vector_store %arg8[%swap3A_274, %swap3A_275], %swap3A_278 {add = true, strides = array<i32>} : memref<400x128xf32, #tpu.memory_space<vmem>>, vector<1x16xf32>,
        %add3A_279 = arith.constant 200 : i32
        %add3A_280 = arith.addi %scan3A_239, %add3A_279 : i32
        %swap3A_281 = arith.index_cast %add3A_280 : i32 to index
        %swap3A_282 = arith.constant 32 : index
        %swap3A_283 = tpu.vector_load %arg8[%swap3A_281, %swap3A_282] {strides = array<i32>} : memref<400x128xf32, #tpu.memory_space<vmem>>, vector<1x16xf32>,
        %swap3A_284 = vector.shape_cast %swap3A_283 : vector<1x16xf32> to vector<16xf32>
        %swap3A_285 = vector.shape_cast %get3A_273 : vector<16xf32> to vector<1x16xf32>
        tpu.vector_store %arg8[%swap3A_281, %swap3A_282], %swap3A_285 {add = true, strides = array<i32>} : memref<400x128xf32, #tpu.memory_space<vmem>>, vector<1x16xf32>,
        %get3A_286 = arith.index_cast %scan3A_239 : i32 to index
        %get3A_287 = arith.constant 48 : index
        %get3A_288 = tpu.vector_load %arg7[%get3A_286, %get3A_287] {strides = array<i32>} : memref<200x128xf32, #tpu.memory_space<vmem>>, vector<1x16xf32>,
        %get3A_289 = vector.shape_cast %get3A_288 : vector<1x16xf32> to vector<16xf32>
        %swap3A_290 = arith.index_cast %scan3A_239 : i32 to index
        %swap3A_291 = arith.constant 48 : index
        %swap3A_292 = tpu.vector_load %arg8[%swap3A_290, %swap3A_291] {strides = array<i32>} : memref<400x128xf32, #tpu.memory_space<vmem>>, vector<1x16xf32>,
        %swap3A_293 = vector.shape_cast %swap3A_292 : vector<1x16xf32> to vector<16xf32>
        %swap3A_294 = vector.shape_cast %get3A_289 : vector<16xf32> to vector<1x16xf32>
        tpu.vector_store %arg8[%swap3A_290, %swap3A_291], %swap3A_294 {add = true, strides = array<i32>} : memref<400x128xf32, #tpu.memory_space<vmem>>, vector<1x16xf32>,
        %add3A_295 = arith.constant 200 : i32
        %add3A_296 = arith.addi %scan3A_239, %add3A_295 : i32
        %swap3A_297 = arith.index_cast %add3A_296 : i32 to index
        %swap3A_298 = arith.constant 48 : index
        %swap3A_299 = tpu.vector_load %arg8[%swap3A_297, %swap3A_298] {strides = array<i32>} : memref<400x128xf32, #tpu.memory_space<vmem>>, vector<1x16xf32>,
        %swap3A_300 = vector.shape_cast %swap3A_299 : vector<1x16xf32> to vector<16xf32>
        %swap3A_301 = vector.shape_cast %get3A_289 : vector<16xf32> to vector<1x16xf32>
        tpu.vector_store %arg8[%swap3A_297, %swap3A_298], %swap3A_301 {add = true, strides = array<i32>} : memref<400x128xf32, #tpu.memory_space<vmem>>, vector<1x16xf32>,
        %get3A_302 = arith.index_cast %scan3A_239 : i32 to index
        %get3A_303 = arith.constant 64 : index
        %get3A_304 = tpu.vector_load %arg7[%get3A_302, %get3A_303] {strides = array<i32>} : memref<200x128xf32, #tpu.memory_space<vmem>>, vector<1x16xf32>,
        %get3A_305 = vector.shape_cast %get3A_304 : vector<1x16xf32> to vector<16xf32>
        %swap3A_306 = arith.index_cast %scan3A_239 : i32 to index
        %swap3A_307 = arith.constant 64 : index
        %swap3A_308 = tpu.vector_load %arg8[%swap3A_306, %swap3A_307] {strides = array<i32>} : memref<400x128xf32, #tpu.memory_space<vmem>>, vector<1x16xf32>,
        %swap3A_309 = vector.shape_cast %swap3A_308 : vector<1x16xf32> to vector<16xf32>
        %swap3A_310 = vector.shape_cast %get3A_305 : vector<16xf32> to vector<1x16xf32>
        tpu.vector_store %arg8[%swap3A_306, %swap3A_307], %swap3A_310 {add = true, strides = array<i32>} : memref<400x128xf32, #tpu.memory_space<vmem>>, vector<1x16xf32>,
        %add3A_311 = arith.constant 200 : i32
        %add3A_312 = arith.addi %scan3A_239, %add3A_311 : i32
        %swap3A_313 = arith.index_cast %add3A_312 : i32 to index
        %swap3A_314 = arith.constant 64 : index
        %swap3A_315 = tpu.vector_load %arg8[%swap3A_313, %swap3A_314] {strides = array<i32>} : memref<400x128xf32, #tpu.memory_space<vmem>>, vector<1x16xf32>,
        %swap3A_316 = vector.shape_cast %swap3A_315 : vector<1x16xf32> to vector<16xf32>
        %swap3A_317 = vector.shape_cast %get3A_305 : vector<16xf32> to vector<1x16xf32>
        tpu.vector_store %arg8[%swap3A_313, %swap3A_314], %swap3A_317 {add = true, strides = array<i32>} : memref<400x128xf32, #tpu.memory_space<vmem>>, vector<1x16xf32>,
        %get3A_318 = arith.index_cast %scan3A_239 : i32 to index
        %get3A_319 = arith.constant 80 : index
        %get3A_320 = tpu.vector_load %arg7[%get3A_318, %get3A_319] {strides = array<i32>} : memref<200x128xf32, #tpu.memory_space<vmem>>, vector<1x16xf32>,
        %get3A_321 = vector.shape_cast %get3A_320 : vector<1x16xf32> to vector<16xf32>
        %swap3A_322 = arith.index_cast %scan3A_239 : i32 to index
        %swap3A_323 = arith.constant 80 : index
        %swap3A_324 = tpu.vector_load %arg8[%swap3A_322, %swap3A_323] {strides = array<i32>} : memref<400x128xf32, #tpu.memory_space<vmem>>, vector<1x16xf32>,
        %swap3A_325 = vector.shape_cast %swap3A_324 : vector<1x16xf32> to vector<16xf32>
        %swap3A_326 = vector.shape_cast %get3A_321 : vector<16xf32> to vector<1x16xf32>
        tpu.vector_store %arg8[%swap3A_322, %swap3A_323], %swap3A_326 {add = true, strides = array<i32>} : memref<400x128xf32, #tpu.memory_space<vmem>>, vector<1x16xf32>,
        %add3A_327 = arith.constant 200 : i32
        %add3A_328 = arith.addi %scan3A_239, %add3A_327 : i32
        %swap3A_329 = arith.index_cast %add3A_328 : i32 to index
        %swap3A_330 = arith.constant 80 : index
        %swap3A_331 = tpu.vector_load %arg8[%swap3A_329, %swap3A_330] {strides = array<i32>} : memref<400x128xf32, #tpu.memory_space<vmem>>, vector<1x16xf32>,
        %swap3A_332 = vector.shape_cast %swap3A_331 : vector<1x16xf32> to vector<16xf32>
        %swap3A_333 = vector.shape_cast %get3A_321 : vector<16xf32> to vector<1x16xf32>
        tpu.vector_store %arg8[%swap3A_329, %swap3A_330], %swap3A_333 {add = true, strides = array<i32>} : memref<400x128xf32, #tpu.memory_space<vmem>>, vector<1x16xf32>,
        %get3A_334 = arith.index_cast %scan3A_239 : i32 to index
        %get3A_335 = arith.constant 96 : index
        %get3A_336 = tpu.vector_load %arg7[%get3A_334, %get3A_335] {strides = array<i32>} : memref<200x128xf32, #tpu.memory_space<vmem>>, vector<1x16xf32>,
        %get3A_337 = vector.shape_cast %get3A_336 : vector<1x16xf32> to vector<16xf32>
        %swap3A_338 = arith.index_cast %scan3A_239 : i32 to index
        %swap3A_339 = arith.constant 96 : index
        %swap3A_340 = tpu.vector_load %arg8[%swap3A_338, %swap3A_339] {strides = array<i32>} : memref<400x128xf32, #tpu.memory_space<vmem>>, vector<1x16xf32>,
        %swap3A_341 = vector.shape_cast %swap3A_340 : vector<1x16xf32> to vector<16xf32>
        %swap3A_342 = vector.shape_cast %get3A_337 : vector<16xf32> to vector<1x16xf32>
        tpu.vector_store %arg8[%swap3A_338, %swap3A_339], %swap3A_342 {add = true, strides = array<i32>} : memref<400x128xf32, #tpu.memory_space<vmem>>, vector<1x16xf32>,
        %add3A_343 = arith.constant 200 : i32
        %add3A_344 = arith.addi %scan3A_239, %add3A_343 : i32
        %swap3A_345 = arith.index_cast %add3A_344 : i32 to index
        %swap3A_346 = arith.constant 96 : index
        %swap3A_347 = tpu.vector_load %arg8[%swap3A_345, %swap3A_346] {strides = array<i32>} : memref<400x128xf32, #tpu.memory_space<vmem>>, vector<1x16xf32>,
        %swap3A_348 = vector.shape_cast %swap3A_347 : vector<1x16xf32> to vector<16xf32>
        %swap3A_349 = vector.shape_cast %get3A_337 : vector<16xf32> to vector<1x16xf32>
        tpu.vector_store %arg8[%swap3A_345, %swap3A_346], %swap3A_349 {add = true, strides = array<i32>} : memref<400x128xf32, #tpu.memory_space<vmem>>, vector<1x16xf32>,
        %get3A_350 = arith.index_cast %scan3A_239 : i32 to index
        %get3A_351 = arith.constant 112 : index
        %get3A_352 = tpu.vector_load %arg7[%get3A_350, %get3A_351] {strides = array<i32>} : memref<200x128xf32, #tpu.memory_space<vmem>>, vector<1x16xf32>,
        %get3A_353 = vector.shape_cast %get3A_352 : vector<1x16xf32> to vector<16xf32>
        %swap3A_354 = arith.index_cast %scan3A_239 : i32 to index
        %swap3A_355 = arith.constant 112 : index
        %swap3A_356 = tpu.vector_load %arg8[%swap3A_354, %swap3A_355] {strides = array<i32>} : memref<400x128xf32, #tpu.memory_space<vmem>>, vector<1x16xf32>,
        %swap3A_357 = vector.shape_cast %swap3A_356 : vector<1x16xf32> to vector<16xf32>
        %swap3A_358 = vector.shape_cast %get3A_353 : vector<16xf32> to vector<1x16xf32>
        tpu.vector_store %arg8[%swap3A_354, %swap3A_355], %swap3A_358 {add = true, strides = array<i32>} : memref<400x128xf32, #tpu.memory_space<vmem>>, vector<1x16xf32>,
        %add3A_359 = arith.constant 200 : i32
        %add3A_360 = arith.addi %scan3A_239, %add3A_359 : i32
        %swap3A_361 = arith.index_cast %add3A_360 : i32 to index
        %swap3A_362 = arith.constant 112 : index
        %swap3A_363 = tpu.vector_load %arg8[%swap3A_361, %swap3A_362] {strides = array<i32>} : memref<400x128xf32, #tpu.memory_space<vmem>>, vector<1x16xf32>,
        %swap3A_364 = vector.shape_cast %swap3A_363 : vector<1x16xf32> to vector<16xf32>
        %swap3A_365 = vector.shape_cast %get3A_353 : vector<16xf32> to vector<1x16xf32>
        tpu.vector_store %arg8[%swap3A_361, %swap3A_362], %swap3A_365 {add = true, strides = array<i32>} : memref<400x128xf32, #tpu.memory_space<vmem>>, vector<1x16xf32>,
      }
      %scan3A_148 = arith.constant 200 : i32
      %mul3A_149 = arith.constant 400 : i32
      %mul3A_150 = arith.muli %add3A_86, %mul3A_149 : i32
      %add3A_151 = arith.addi %mul3A_2, %mul3A_150 : i32
      %dma_start3A_152 = arith.constant 0 : i32
      %dma_start3A_153 = tpu.memref_slice %arg5[%add3A_151, %dma_start3A_152] : memref<819200x128xf32, #tpu.memory_space<hbm>> -> memref<400x128xf32, #tpu.memory_space<hbm>>
      %dma_start3A_154 = arith.constant 0 : i32
      %dma_start3A_155 = tpu.memref_slice %arg5[%add3A_151, %dma_start3A_154] : memref<819200x128xf32, #tpu.memory_space<hbm>> -> memref<400x128xf32, #tpu.memory_space<hbm>>
      tpu.enqueue_dma source(%arg8 : memref<400x128xf32, #tpu.memory_space<vmem>>) target(%dma_start3A_155 : memref<400x128xf32, #tpu.memory_space<hbm>>) target_semaphore(%arg12 : memref<!tpu.dma_semaphore, #tpu.memory_space<semaphore_mem>>)
      %mul3A_156 = arith.constant 2 : i32
      %mul3A_157 = arith.muli %mul3A_156, %scan3A_82 : i32
      %add3A_158 = arith.constant 1 : i32
      %add3A_159 = arith.addi %mul3A_157, %add3A_158 : i32
      %jit3A_160 = arith.constant 4 : i32
      %eq3A_161 = arith.constant 0 : i32
      %eq3A_162 = arith.cmpi eq, %jit3A_160, %eq3A_161 : i32
      %jit3A_163 = arith.constant 1 : i32
      %select_n3A_164 = arith.select %eq3A_162, %jit3A_163, %jit3A_160 : i32
      %rem3A_165 = arith.remsi %add3A_159, %select_n3A_164 : i32
      %ne3A_166 = arith.constant 0 : i32
      %ne3A_167 = arith.cmpi ne, %rem3A_165, %ne3A_166 : i32
      %lt3A_168 = arith.constant 0 : i32
      %lt3A_169 = arith.cmpi slt, %rem3A_165, %lt3A_168 : i32
      %lt3A_170 = arith.constant 0 : i32
      %lt3A_171 = arith.cmpi slt, %select_n3A_164, %lt3A_170 : i32
      %ne3A_172 = arith.xori %lt3A_169, %lt3A_171 : i1
      %and3A_173 = arith.andi %ne3A_172, %ne3A_167 : i1
      %add3A_174 = arith.addi %rem3A_165, %select_n3A_164 : i32
      %select_n3A_175 = arith.select %and3A_173, %add3A_174, %rem3A_165 : i32
      %mul3A_176 = arith.constant 400 : i32
      %mul3A_177 = arith.muli %select_n3A_175, %mul3A_176 : i32
      %add3A_178 = arith.constant 0 : i32
      %add3A_179 = arith.addi %mul3A_177, %add3A_178 : i32
      %add3A_180 = arith.constant 128 : i32
      %add3A_181 = arith.addi %mul3A_177, %add3A_180 : i32
      %add3A_182 = arith.constant 256 : i32
      %add3A_183 = arith.addi %mul3A_177, %add3A_182 : i32
      %add3A_184 = arith.constant 384 : i32
      %add3A_185 = arith.addi %mul3A_177, %add3A_184 : i32
      %dma_wait3A_186 = arith.constant 0 : i32
      %dma_wait3A_187 = arith.constant 0 : i32
      %dma_wait3A_188 = tpu.memref_slice %arg9[%dma_wait3A_186, %dma_wait3A_187] : memref<400x128xf32, #tpu.memory_space<vmem>> -> memref<128x128xf32, #tpu.memory_space<vmem>>
      %dma_wait3A_189 = tpu.memref_slice %arg6[%add3A_179] : memref<1600xi32, #tpu.memory_space<vmem>> -> memref<128xi32, #tpu.memory_space<vmem>>
      %dma_wait3A_190 = arith.constant 0 : i32
      %dma_wait3A_191 = arith.constant 0 : i32
      %dma_wait3A_192 = tpu.memref_slice %arg3[%dma_wait3A_190, %dma_wait3A_191] : memref<100000x128xf32, #tpu.memory_space<hbm>> -> memref<100000x128xf32, #tpu.memory_space<hbm>>
      tpu.wait_indirect_dma semaphore(%arg11 : memref<!tpu.dma_semaphore, #tpu.memory_space<semaphore_mem>>) src(%dma_wait3A_192 : memref<100000x128xf32, #tpu.memory_space<hbm>>) dst(%dma_wait3A_188 : memref<128x128xf32, #tpu.memory_space<vmem>>)
      %dma_wait3A_193 = arith.constant 128 : i32
      %dma_wait3A_194 = arith.constant 0 : i32
      %dma_wait3A_195 = tpu.memref_slice %arg9[%dma_wait3A_193, %dma_wait3A_194] : memref<400x128xf32, #tpu.memory_space<vmem>> -> memref<128x128xf32, #tpu.memory_space<vmem>>
      %dma_wait3A_196 = tpu.memref_slice %arg6[%add3A_181] : memref<1600xi32, #tpu.memory_space<vmem>> -> memref<128xi32, #tpu.memory_space<vmem>>
      %dma_wait3A_197 = arith.constant 0 : i32
      %dma_wait3A_198 = arith.constant 0 : i32
      %dma_wait3A_199 = tpu.memref_slice %arg3[%dma_wait3A_197, %dma_wait3A_198] : memref<100000x128xf32, #tpu.memory_space<hbm>> -> memref<100000x128xf32, #tpu.memory_space<hbm>>
      tpu.wait_indirect_dma semaphore(%arg11 : memref<!tpu.dma_semaphore, #tpu.memory_space<semaphore_mem>>) src(%dma_wait3A_199 : memref<100000x128xf32, #tpu.memory_space<hbm>>) dst(%dma_wait3A_195 : memref<128x128xf32, #tpu.memory_space<vmem>>)
      %dma_wait3A_200 = arith.constant 256 : i32
      %dma_wait3A_201 = arith.constant 0 : i32
      %dma_wait3A_202 = tpu.memref_slice %arg9[%dma_wait3A_200, %dma_wait3A_201] : memref<400x128xf32, #tpu.memory_space<vmem>> -> memref<128x128xf32, #tpu.memory_space<vmem>>
      %dma_wait3A_203 = tpu.memref_slice %arg6[%add3A_183] : memref<1600xi32, #tpu.memory_space<vmem>> -> memref<128xi32, #tpu.memory_space<vmem>>
      %dma_wait3A_204 = arith.constant 0 : i32
      %dma_wait3A_205 = arith.constant 0 : i32
      %dma_wait3A_206 = tpu.memref_slice %arg3[%dma_wait3A_204, %dma_wait3A_205] : memref<100000x128xf32, #tpu.memory_space<hbm>> -> memref<100000x128xf32, #tpu.memory_space<hbm>>
      tpu.wait_indirect_dma semaphore(%arg11 : memref<!tpu.dma_semaphore, #tpu.memory_space<semaphore_mem>>) src(%dma_wait3A_206 : memref<100000x128xf32, #tpu.memory_space<hbm>>) dst(%dma_wait3A_202 : memref<128x128xf32, #tpu.memory_space<vmem>>)
      %dma_wait3A_207 = arith.constant 384 : i32
      %dma_wait3A_208 = arith.constant 0 : i32
      %dma_wait3A_209 = tpu.memref_slice %arg9[%dma_wait3A_207, %dma_wait3A_208] : memref<400x128xf32, #tpu.memory_space<vmem>> -> memref<16x128xf32, #tpu.memory_space<vmem>>
      %dma_wait3A_210 = tpu.memref_slice %arg6[%add3A_185] : memref<1600xi32, #tpu.memory_space<vmem>> -> memref<16xi32, #tpu.memory_space<vmem>>
      %dma_wait3A_211 = arith.constant 0 : i32
      %dma_wait3A_212 = arith.constant 0 : i32
      %dma_wait3A_213 = tpu.memref_slice %arg3[%dma_wait3A_211, %dma_wait3A_212] : memref<100000x128xf32, #tpu.memory_space<hbm>> -> memref<100000x128xf32, #tpu.memory_space<hbm>>
      tpu.wait_indirect_dma semaphore(%arg11 : memref<!tpu.dma_semaphore, #tpu.memory_space<semaphore_mem>>) src(%dma_wait3A_213 : memref<100000x128xf32, #tpu.memory_space<hbm>>) dst(%dma_wait3A_209 : memref<16x128xf32, #tpu.memory_space<vmem>>)
      %le3A_214 = arith.constant 62 : i32
      %le3A_215 = arith.cmpi sle, %add3A_159, %le3A_214 : i32
      %convert_element_type3A_216 = arith.extui %le3A_215 : i1 to i32
      %cond3A_217 = arith.constant 0 : i32
      %cond3A_218 = arith.cmpi ne, %convert_element_type3A_216, %cond3A_217 : i32
      scf.if %cond3A_218 {
        %add3A_239 = arith.constant 1 : i32
        %add3A_240 = arith.addi %add3A_159, %add3A_239 : i32
        %mul3A_241 = arith.constant 400 : i32
        %mul3A_242 = arith.muli %add3A_240, %mul3A_241 : i32
        %add3A_243 = arith.addi %mul3A_2, %mul3A_242 : i32
        %jit3A_244 = arith.constant 4 : i32
        %eq3A_245 = arith.constant 0 : i32
        %eq3A_246 = arith.cmpi eq, %jit3A_244, %eq3A_245 : i32
        %jit3A_247 = arith.constant 1 : i32
        %select_n3A_248 = arith.select %eq3A_246, %jit3A_247, %jit3A_244 : i32
        %rem3A_249 = arith.remsi %add3A_240, %select_n3A_248 : i32
        %ne3A_250 = arith.constant 0 : i32
        %ne3A_251 = arith.cmpi ne, %rem3A_249, %ne3A_250 : i32
        %lt3A_252 = arith.constant 0 : i32
        %lt3A_253 = arith.cmpi slt, %rem3A_249, %lt3A_252 : i32
        %lt3A_254 = arith.constant 0 : i32
        %lt3A_255 = arith.cmpi slt, %select_n3A_248, %lt3A_254 : i32
        %ne3A_256 = arith.xori %lt3A_253, %lt3A_255 : i1
        %and3A_257 = arith.andi %ne3A_256, %ne3A_251 : i1
        %add3A_258 = arith.addi %rem3A_249, %select_n3A_248 : i32
        %select_n3A_259 = arith.select %and3A_257, %add3A_258, %rem3A_249 : i32
        %mul3A_260 = arith.constant 400 : i32
        %mul3A_261 = arith.muli %select_n3A_259, %mul3A_260 : i32
        %dma_wait3A_262 = tpu.memref_slice %arg6[%mul3A_261] : memref<1600xi32, #tpu.memory_space<vmem>> -> memref<400xi32, #tpu.memory_space<vmem>>
        %dma_wait3A_263 = tpu.memref_slice %arg2[%add3A_243] : memref<819200xi32, #tpu.memory_space<hbm>> -> memref<400xi32, #tpu.memory_space<hbm>>
        %dma_wait3A_264 = tpu.memref_slice %arg6[%mul3A_261] : memref<1600xi32, #tpu.memory_space<vmem>> -> memref<400xi32, #tpu.memory_space<vmem>>
        %dma_wait3A_265 = tpu.memref_slice %arg2[%add3A_243] : memref<819200xi32, #tpu.memory_space<hbm>> -> memref<400xi32, #tpu.memory_space<hbm>>
        tpu.wait_dma2 semaphore(%arg10 : memref<!tpu.dma_semaphore, #tpu.memory_space<semaphore_mem>>) src(%dma_wait3A_265 : memref<400xi32, #tpu.memory_space<hbm>>) dst(%dma_wait3A_264 : memref<400xi32, #tpu.memory_space<vmem>>)
        %ge3A = arith.constant 1 : i32
        %ge3A_266 = arith.cmpi sge, %add3A_159, %ge3A : i32
        %convert_element_type3A_267 = arith.extui %ge3A_266 : i1 to i32
        %cond3A_268 = arith.constant 0 : i32
        %cond3A_269 = arith.cmpi ne, %convert_element_type3A_267, %cond3A_268 : i32
        scf.if %cond3A_269 {
          %sub3A = arith.constant 1 : i32
          %sub3A_326 = arith.subi %add3A_159, %sub3A : i32
          %mul3A_327 = arith.constant 400 : i32
          %mul3A_328 = arith.muli %sub3A_326, %mul3A_327 : i32
          %add3A_329 = arith.addi %mul3A_2, %mul3A_328 : i32
          %dma_wait3A_330 = arith.constant 0 : i32
          %dma_wait3A_331 = tpu.memref_slice %arg5[%add3A_329, %dma_wait3A_330] : memref<819200x128xf32, #tpu.memory_space<hbm>> -> memref<400x128xf32, #tpu.memory_space<hbm>>
          %dma_wait3A_332 = arith.constant 0 : i32
          %dma_wait3A_333 = tpu.memref_slice %arg5[%add3A_329, %dma_wait3A_332] : memref<819200x128xf32, #tpu.memory_space<hbm>> -> memref<400x128xf32, #tpu.memory_space<hbm>>
          tpu.wait_dma2 semaphore(%arg12 : memref<!tpu.dma_semaphore, #tpu.memory_space<semaphore_mem>>) src(%arg8 : memref<400x128xf32, #tpu.memory_space<vmem>>) dst(%dma_wait3A_333 : memref<400x128xf32, #tpu.memory_space<hbm>>)
        } else {
        }
        %add3A_270 = arith.constant 1 : i32
        %add3A_271 = arith.addi %add3A_159, %add3A_270 : i32
        %jit3A_272 = arith.constant 4 : i32
        %eq3A_273 = arith.constant 0 : i32
        %eq3A_274 = arith.cmpi eq, %jit3A_272, %eq3A_273 : i32
        %jit3A_275 = arith.constant 1 : i32
        %select_n3A_276 = arith.select %eq3A_274, %jit3A_275, %jit3A_272 : i32
        %rem3A_277 = arith.remsi %add3A_271, %select_n3A_276 : i32
        %ne3A_278 = arith.constant 0 : i32
        %ne3A_279 = arith.cmpi ne, %rem3A_277, %ne3A_278 : i32
        %lt3A_280 = arith.constant 0 : i32
        %lt3A_281 = arith.cmpi slt, %rem3A_277, %lt3A_280 : i32
        %lt3A_282 = arith.constant 0 : i32
        %lt3A_283 = arith.cmpi slt, %select_n3A_276, %lt3A_282 : i32
        %ne3A_284 = arith.xori %lt3A_281, %lt3A_283 : i1
        %and3A_285 = arith.andi %ne3A_284, %ne3A_279 : i1
        %add3A_286 = arith.addi %rem3A_277, %select_n3A_276 : i32
        %select_n3A_287 = arith.select %and3A_285, %add3A_286, %rem3A_277 : i32
        %mul3A_288 = arith.constant 400 : i32
        %mul3A_289 = arith.muli %select_n3A_287, %mul3A_288 : i32
        %add3A_290 = arith.constant 0 : i32
        %add3A_291 = arith.addi %mul3A_289, %add3A_290 : i32
        %add3A_292 = arith.constant 128 : i32
        %add3A_293 = arith.addi %mul3A_289, %add3A_292 : i32
        %add3A_294 = arith.constant 256 : i32
        %add3A_295 = arith.addi %mul3A_289, %add3A_294 : i32
        %add3A_296 = arith.constant 384 : i32
        %add3A_297 = arith.addi %mul3A_289, %add3A_296 : i32
        %dma_start3A_298 = arith.constant 0 : i32
        %dma_start3A_299 = arith.constant 0 : i32
        %dma_start3A_300 = tpu.memref_slice %arg8[%dma_start3A_298, %dma_start3A_299] : memref<400x128xf32, #tpu.memory_space<vmem>> -> memref<128x128xf32, #tpu.memory_space<vmem>>
        %dma_start3A_301 = tpu.memref_slice %arg6[%add3A_291] : memref<1600xi32, #tpu.memory_space<vmem>> -> memref<128xi32, #tpu.memory_space<vmem>>
        %dma_start3A_302 = arith.constant 0 : i32
        %dma_start3A_303 = arith.constant 0 : i32
        %dma_start3A_304 = tpu.memref_slice %arg3[%dma_start3A_302, %dma_start3A_303] : memref<100000x128xf32, #tpu.memory_space<hbm>> -> memref<100000x128xf32, #tpu.memory_space<hbm>>
        tpu.enqueue_indirect_dma source(%dma_start3A_304 : memref<100000x128xf32, #tpu.memory_space<hbm>>) target(%dma_start3A_300 : memref<128x128xf32, #tpu.memory_space<vmem>>) offsets(%dma_start3A_301 : memref<128xi32, #tpu.memory_space<vmem>>) semaphore(%arg11 : memref<!tpu.dma_semaphore, #tpu.memory_space<semaphore_mem>>)
        %dma_start3A_305 = arith.constant 128 : i32
        %dma_start3A_306 = arith.constant 0 : i32
        %dma_start3A_307 = tpu.memref_slice %arg8[%dma_start3A_305, %dma_start3A_306] : memref<400x128xf32, #tpu.memory_space<vmem>> -> memref<128x128xf32, #tpu.memory_space<vmem>>
        %dma_start3A_308 = tpu.memref_slice %arg6[%add3A_293] : memref<1600xi32, #tpu.memory_space<vmem>> -> memref<128xi32, #tpu.memory_space<vmem>>
        %dma_start3A_309 = arith.constant 0 : i32
        %dma_start3A_310 = arith.constant 0 : i32
        %dma_start3A_311 = tpu.memref_slice %arg3[%dma_start3A_309, %dma_start3A_310] : memref<100000x128xf32, #tpu.memory_space<hbm>> -> memref<100000x128xf32, #tpu.memory_space<hbm>>
        tpu.enqueue_indirect_dma source(%dma_start3A_311 : memref<100000x128xf32, #tpu.memory_space<hbm>>) target(%dma_start3A_307 : memref<128x128xf32, #tpu.memory_space<vmem>>) offsets(%dma_start3A_308 : memref<128xi32, #tpu.memory_space<vmem>>) semaphore(%arg11 : memref<!tpu.dma_semaphore, #tpu.memory_space<semaphore_mem>>)
        %dma_start3A_312 = arith.constant 256 : i32
        %dma_start3A_313 = arith.constant 0 : i32
        %dma_start3A_314 = tpu.memref_slice %arg8[%dma_start3A_312, %dma_start3A_313] : memref<400x128xf32, #tpu.memory_space<vmem>> -> memref<128x128xf32, #tpu.memory_space<vmem>>
        %dma_start3A_315 = tpu.memref_slice %arg6[%add3A_295] : memref<1600xi32, #tpu.memory_space<vmem>> -> memref<128xi32, #tpu.memory_space<vmem>>
        %dma_start3A_316 = arith.constant 0 : i32
        %dma_start3A_317 = arith.constant 0 : i32
        %dma_start3A_318 = tpu.memref_slice %arg3[%dma_start3A_316, %dma_start3A_317] : memref<100000x128xf32, #tpu.memory_space<hbm>> -> memref<100000x128xf32, #tpu.memory_space<hbm>>
        tpu.enqueue_indirect_dma source(%dma_start3A_318 : memref<100000x128xf32, #tpu.memory_space<hbm>>) target(%dma_start3A_314 : memref<128x128xf32, #tpu.memory_space<vmem>>) offsets(%dma_start3A_315 : memref<128xi32, #tpu.memory_space<vmem>>) semaphore(%arg11 : memref<!tpu.dma_semaphore, #tpu.memory_space<semaphore_mem>>)
        %dma_start3A_319 = arith.constant 384 : i32
        %dma_start3A_320 = arith.constant 0 : i32
        %dma_start3A_321 = tpu.memref_slice %arg8[%dma_start3A_319, %dma_start3A_320] : memref<400x128xf32, #tpu.memory_space<vmem>> -> memref<16x128xf32, #tpu.memory_space<vmem>>
        %dma_start3A_322 = tpu.memref_slice %arg6[%add3A_297] : memref<1600xi32, #tpu.memory_space<vmem>> -> memref<16xi32, #tpu.memory_space<vmem>>
        %dma_start3A_323 = arith.constant 0 : i32
        %dma_start3A_324 = arith.constant 0 : i32
        %dma_start3A_325 = tpu.memref_slice %arg3[%dma_start3A_323, %dma_start3A_324] : memref<100000x128xf32, #tpu.memory_space<hbm>> -> memref<100000x128xf32, #tpu.memory_space<hbm>>
        tpu.enqueue_indirect_dma source(%dma_start3A_325 : memref<100000x128xf32, #tpu.memory_space<hbm>>) target(%dma_start3A_321 : memref<16x128xf32, #tpu.memory_space<vmem>>) offsets(%dma_start3A_322 : memref<16xi32, #tpu.memory_space<vmem>>) semaphore(%arg11 : memref<!tpu.dma_semaphore, #tpu.memory_space<semaphore_mem>>)
      } else {
      }
      %add3A_219 = arith.constant 3 : i32
      %add3A_220 = arith.addi %add3A_159, %add3A_219 : i32
      %le3A_221 = arith.constant 63 : i32
      %le3A_222 = arith.cmpi sle, %add3A_220, %le3A_221 : i32
      %convert_element_type3A_223 = arith.extui %le3A_222 : i1 to i32
      %cond3A_224 = arith.constant 0 : i32
      %cond3A_225 = arith.cmpi ne, %convert_element_type3A_223, %cond3A_224 : i32
      scf.if %cond3A_225 {
        %add3A_239 = arith.constant 3 : i32
        %add3A_240 = arith.addi %add3A_159, %add3A_239 : i32
        %mul3A_241 = arith.constant 400 : i32
        %mul3A_242 = arith.muli %add3A_240, %mul3A_241 : i32
        %add3A_243 = arith.addi %mul3A_2, %mul3A_242 : i32
        %jit3A_244 = arith.constant 4 : i32
        %eq3A_245 = arith.constant 0 : i32
        %eq3A_246 = arith.cmpi eq, %jit3A_244, %eq3A_245 : i32
        %jit3A_247 = arith.constant 1 : i32
        %select_n3A_248 = arith.select %eq3A_246, %jit3A_247, %jit3A_244 : i32
        %rem3A_249 = arith.remsi %add3A_240, %select_n3A_248 : i32
        %ne3A_250 = arith.constant 0 : i32
        %ne3A_251 = arith.cmpi ne, %rem3A_249, %ne3A_250 : i32
        %lt3A_252 = arith.constant 0 : i32
        %lt3A_253 = arith.cmpi slt, %rem3A_249, %lt3A_252 : i32
        %lt3A_254 = arith.constant 0 : i32
        %lt3A_255 = arith.cmpi slt, %select_n3A_248, %lt3A_254 : i32
        %ne3A_256 = arith.xori %lt3A_253, %lt3A_255 : i1
        %and3A_257 = arith.andi %ne3A_256, %ne3A_251 : i1
        %add3A_258 = arith.addi %rem3A_249, %select_n3A_248 : i32
        %select_n3A_259 = arith.select %and3A_257, %add3A_258, %rem3A_249 : i32
        %mul3A_260 = arith.constant 400 : i32
        %mul3A_261 = arith.muli %select_n3A_259, %mul3A_260 : i32
        %dma_start3A_262 = tpu.memref_slice %arg6[%mul3A_261] : memref<1600xi32, #tpu.memory_space<vmem>> -> memref<400xi32, #tpu.memory_space<vmem>>
        %dma_start3A_263 = tpu.memref_slice %arg2[%add3A_243] : memref<819200xi32, #tpu.memory_space<hbm>> -> memref<400xi32, #tpu.memory_space<hbm>>
        %dma_start3A_264 = tpu.memref_slice %arg6[%mul3A_261] : memref<1600xi32, #tpu.memory_space<vmem>> -> memref<400xi32, #tpu.memory_space<vmem>>
        %dma_start3A_265 = tpu.memref_slice %arg2[%add3A_243] : memref<819200xi32, #tpu.memory_space<hbm>> -> memref<400xi32, #tpu.memory_space<hbm>>
        tpu.enqueue_dma source(%dma_start3A_265 : memref<400xi32, #tpu.memory_space<hbm>>) target(%dma_start3A_264 : memref<400xi32, #tpu.memory_space<vmem>>) target_semaphore(%arg10 : memref<!tpu.dma_semaphore, #tpu.memory_space<semaphore_mem>>)
      } else {
      }
      %scan3A_226 = arith.constant 0 : i32
      %scan3A_227 = arith.constant 0 : i32
      %scan3A_228 = arith.constant 200 : i32
      %scan3A_229 = arith.addi %scan3A_227, %scan3A_228 : i32
      %scan3A_230 = arith.constant 1 : i32
      scf.for %scan3A_239 = %scan3A_227 to %scan3A_229 step %scan3A_230  : i32 {
        %get3A = arith.index_cast %scan3A_239 : i32 to index
        %get3A_240 = arith.constant 0 : index
        %get3A_241 = tpu.vector_load %arg7[%get3A, %get3A_240] {strides = array<i32>} : memref<200x128xf32, #tpu.memory_space<vmem>>, vector<1x16xf32>,
        %get3A_242 = vector.shape_cast %get3A_241 : vector<1x16xf32> to vector<16xf32>
        %swap3A = arith.index_cast %scan3A_239 : i32 to index
        %swap3A_243 = arith.constant 0 : index
        %swap3A_244 = tpu.vector_load %arg9[%swap3A, %swap3A_243] {strides = array<i32>} : memref<400x128xf32, #tpu.memory_space<vmem>>, vector<1x16xf32>,
        %swap3A_245 = vector.shape_cast %swap3A_244 : vector<1x16xf32> to vector<16xf32>
        %swap3A_246 = vector.shape_cast %get3A_242 : vector<16xf32> to vector<1x16xf32>
        tpu.vector_store %arg9[%swap3A, %swap3A_243], %swap3A_246 {add = true, strides = array<i32>} : memref<400x128xf32, #tpu.memory_space<vmem>>, vector<1x16xf32>,
        %add3A_247 = arith.constant 200 : i32
        %add3A_248 = arith.addi %scan3A_239, %add3A_247 : i32
        %swap3A_249 = arith.index_cast %add3A_248 : i32 to index
        %swap3A_250 = arith.constant 0 : index
        %swap3A_251 = tpu.vector_load %arg9[%swap3A_249, %swap3A_250] {strides = array<i32>} : memref<400x128xf32, #tpu.memory_space<vmem>>, vector<1x16xf32>,
        %swap3A_252 = vector.shape_cast %swap3A_251 : vector<1x16xf32> to vector<16xf32>
        %swap3A_253 = vector.shape_cast %get3A_242 : vector<16xf32> to vector<1x16xf32>
        tpu.vector_store %arg9[%swap3A_249, %swap3A_250], %swap3A_253 {add = true, strides = array<i32>} : memref<400x128xf32, #tpu.memory_space<vmem>>, vector<1x16xf32>,
        %get3A_254 = arith.index_cast %scan3A_239 : i32 to index
        %get3A_255 = arith.constant 16 : index
        %get3A_256 = tpu.vector_load %arg7[%get3A_254, %get3A_255] {strides = array<i32>} : memref<200x128xf32, #tpu.memory_space<vmem>>, vector<1x16xf32>,
        %get3A_257 = vector.shape_cast %get3A_256 : vector<1x16xf32> to vector<16xf32>
        %swap3A_258 = arith.index_cast %scan3A_239 : i32 to index
        %swap3A_259 = arith.constant 16 : index
        %swap3A_260 = tpu.vector_load %arg9[%swap3A_258, %swap3A_259] {strides = array<i32>} : memref<400x128xf32, #tpu.memory_space<vmem>>, vector<1x16xf32>,
        %swap3A_261 = vector.shape_cast %swap3A_260 : vector<1x16xf32> to vector<16xf32>
        %swap3A_262 = vector.shape_cast %get3A_257 : vector<16xf32> to vector<1x16xf32>
        tpu.vector_store %arg9[%swap3A_258, %swap3A_259], %swap3A_262 {add = true, strides = array<i32>} : memref<400x128xf32, #tpu.memory_space<vmem>>, vector<1x16xf32>,
        %add3A_263 = arith.constant 200 : i32
        %add3A_264 = arith.addi %scan3A_239, %add3A_263 : i32
        %swap3A_265 = arith.index_cast %add3A_264 : i32 to index
        %swap3A_266 = arith.constant 16 : index
        %swap3A_267 = tpu.vector_load %arg9[%swap3A_265, %swap3A_266] {strides = array<i32>} : memref<400x128xf32, #tpu.memory_space<vmem>>, vector<1x16xf32>,
        %swap3A_268 = vector.shape_cast %swap3A_267 : vector<1x16xf32> to vector<16xf32>
        %swap3A_269 = vector.shape_cast %get3A_257 : vector<16xf32> to vector<1x16xf32>
        tpu.vector_store %arg9[%swap3A_265, %swap3A_266], %swap3A_269 {add = true, strides = array<i32>} : memref<400x128xf32, #tpu.memory_space<vmem>>, vector<1x16xf32>,
        %get3A_270 = arith.index_cast %scan3A_239 : i32 to index
        %get3A_271 = arith.constant 32 : index
        %get3A_272 = tpu.vector_load %arg7[%get3A_270, %get3A_271] {strides = array<i32>} : memref<200x128xf32, #tpu.memory_space<vmem>>, vector<1x16xf32>,
        %get3A_273 = vector.shape_cast %get3A_272 : vector<1x16xf32> to vector<16xf32>
        %swap3A_274 = arith.index_cast %scan3A_239 : i32 to index
        %swap3A_275 = arith.constant 32 : index
        %swap3A_276 = tpu.vector_load %arg9[%swap3A_274, %swap3A_275] {strides = array<i32>} : memref<400x128xf32, #tpu.memory_space<vmem>>, vector<1x16xf32>,
        %swap3A_277 = vector.shape_cast %swap3A_276 : vector<1x16xf32> to vector<16xf32>
        %swap3A_278 = vector.shape_cast %get3A_273 : vector<16xf32> to vector<1x16xf32>
        tpu.vector_store %arg9[%swap3A_274, %swap3A_275], %swap3A_278 {add = true, strides = array<i32>} : memref<400x128xf32, #tpu.memory_space<vmem>>, vector<1x16xf32>,
        %add3A_279 = arith.constant 200 : i32
        %add3A_280 = arith.addi %scan3A_239, %add3A_279 : i32
        %swap3A_281 = arith.index_cast %add3A_280 : i32 to index
        %swap3A_282 = arith.constant 32 : index
        %swap3A_283 = tpu.vector_load %arg9[%swap3A_281, %swap3A_282] {strides = array<i32>} : memref<400x128xf32, #tpu.memory_space<vmem>>, vector<1x16xf32>,
        %swap3A_284 = vector.shape_cast %swap3A_283 : vector<1x16xf32> to vector<16xf32>
        %swap3A_285 = vector.shape_cast %get3A_273 : vector<16xf32> to vector<1x16xf32>
        tpu.vector_store %arg9[%swap3A_281, %swap3A_282], %swap3A_285 {add = true, strides = array<i32>} : memref<400x128xf32, #tpu.memory_space<vmem>>, vector<1x16xf32>,
        %get3A_286 = arith.index_cast %scan3A_239 : i32 to index
        %get3A_287 = arith.constant 48 : index
        %get3A_288 = tpu.vector_load %arg7[%get3A_286, %get3A_287] {strides = array<i32>} : memref<200x128xf32, #tpu.memory_space<vmem>>, vector<1x16xf32>,
        %get3A_289 = vector.shape_cast %get3A_288 : vector<1x16xf32> to vector<16xf32>
        %swap3A_290 = arith.index_cast %scan3A_239 : i32 to index
        %swap3A_291 = arith.constant 48 : index
        %swap3A_292 = tpu.vector_load %arg9[%swap3A_290, %swap3A_291] {strides = array<i32>} : memref<400x128xf32, #tpu.memory_space<vmem>>, vector<1x16xf32>,
        %swap3A_293 = vector.shape_cast %swap3A_292 : vector<1x16xf32> to vector<16xf32>
        %swap3A_294 = vector.shape_cast %get3A_289 : vector<16xf32> to vector<1x16xf32>
        tpu.vector_store %arg9[%swap3A_290, %swap3A_291], %swap3A_294 {add = true, strides = array<i32>} : memref<400x128xf32, #tpu.memory_space<vmem>>, vector<1x16xf32>,
        %add3A_295 = arith.constant 200 : i32
        %add3A_296 = arith.addi %scan3A_239, %add3A_295 : i32
        %swap3A_297 = arith.index_cast %add3A_296 : i32 to index
        %swap3A_298 = arith.constant 48 : index
        %swap3A_299 = tpu.vector_load %arg9[%swap3A_297, %swap3A_298] {strides = array<i32>} : memref<400x128xf32, #tpu.memory_space<vmem>>, vector<1x16xf32>,
        %swap3A_300 = vector.shape_cast %swap3A_299 : vector<1x16xf32> to vector<16xf32>
        %swap3A_301 = vector.shape_cast %get3A_289 : vector<16xf32> to vector<1x16xf32>
        tpu.vector_store %arg9[%swap3A_297, %swap3A_298], %swap3A_301 {add = true, strides = array<i32>} : memref<400x128xf32, #tpu.memory_space<vmem>>, vector<1x16xf32>,
        %get3A_302 = arith.index_cast %scan3A_239 : i32 to index
        %get3A_303 = arith.constant 64 : index
        %get3A_304 = tpu.vector_load %arg7[%get3A_302, %get3A_303] {strides = array<i32>} : memref<200x128xf32, #tpu.memory_space<vmem>>, vector<1x16xf32>,
        %get3A_305 = vector.shape_cast %get3A_304 : vector<1x16xf32> to vector<16xf32>
        %swap3A_306 = arith.index_cast %scan3A_239 : i32 to index
        %swap3A_307 = arith.constant 64 : index
        %swap3A_308 = tpu.vector_load %arg9[%swap3A_306, %swap3A_307] {strides = array<i32>} : memref<400x128xf32, #tpu.memory_space<vmem>>, vector<1x16xf32>,
        %swap3A_309 = vector.shape_cast %swap3A_308 : vector<1x16xf32> to vector<16xf32>
        %swap3A_310 = vector.shape_cast %get3A_305 : vector<16xf32> to vector<1x16xf32>
        tpu.vector_store %arg9[%swap3A_306, %swap3A_307], %swap3A_310 {add = true, strides = array<i32>} : memref<400x128xf32, #tpu.memory_space<vmem>>, vector<1x16xf32>,
        %add3A_311 = arith.constant 200 : i32
        %add3A_312 = arith.addi %scan3A_239, %add3A_311 : i32
        %swap3A_313 = arith.index_cast %add3A_312 : i32 to index
        %swap3A_314 = arith.constant 64 : index
        %swap3A_315 = tpu.vector_load %arg9[%swap3A_313, %swap3A_314] {strides = array<i32>} : memref<400x128xf32, #tpu.memory_space<vmem>>, vector<1x16xf32>,
        %swap3A_316 = vector.shape_cast %swap3A_315 : vector<1x16xf32> to vector<16xf32>
        %swap3A_317 = vector.shape_cast %get3A_305 : vector<16xf32> to vector<1x16xf32>
        tpu.vector_store %arg9[%swap3A_313, %swap3A_314], %swap3A_317 {add = true, strides = array<i32>} : memref<400x128xf32, #tpu.memory_space<vmem>>, vector<1x16xf32>,
        %get3A_318 = arith.index_cast %scan3A_239 : i32 to index
        %get3A_319 = arith.constant 80 : index
        %get3A_320 = tpu.vector_load %arg7[%get3A_318, %get3A_319] {strides = array<i32>} : memref<200x128xf32, #tpu.memory_space<vmem>>, vector<1x16xf32>,
        %get3A_321 = vector.shape_cast %get3A_320 : vector<1x16xf32> to vector<16xf32>
        %swap3A_322 = arith.index_cast %scan3A_239 : i32 to index
        %swap3A_323 = arith.constant 80 : index
        %swap3A_324 = tpu.vector_load %arg9[%swap3A_322, %swap3A_323] {strides = array<i32>} : memref<400x128xf32, #tpu.memory_space<vmem>>, vector<1x16xf32>,
        %swap3A_325 = vector.shape_cast %swap3A_324 : vector<1x16xf32> to vector<16xf32>
        %swap3A_326 = vector.shape_cast %get3A_321 : vector<16xf32> to vector<1x16xf32>
        tpu.vector_store %arg9[%swap3A_322, %swap3A_323], %swap3A_326 {add = true, strides = array<i32>} : memref<400x128xf32, #tpu.memory_space<vmem>>, vector<1x16xf32>,
        %add3A_327 = arith.constant 200 : i32
        %add3A_328 = arith.addi %scan3A_239, %add3A_327 : i32
        %swap3A_329 = arith.index_cast %add3A_328 : i32 to index
        %swap3A_330 = arith.constant 80 : index
        %swap3A_331 = tpu.vector_load %arg9[%swap3A_329, %swap3A_330] {strides = array<i32>} : memref<400x128xf32, #tpu.memory_space<vmem>>, vector<1x16xf32>,
        %swap3A_332 = vector.shape_cast %swap3A_331 : vector<1x16xf32> to vector<16xf32>
        %swap3A_333 = vector.shape_cast %get3A_321 : vector<16xf32> to vector<1x16xf32>
        tpu.vector_store %arg9[%swap3A_329, %swap3A_330], %swap3A_333 {add = true, strides = array<i32>} : memref<400x128xf32, #tpu.memory_space<vmem>>, vector<1x16xf32>,
        %get3A_334 = arith.index_cast %scan3A_239 : i32 to index
        %get3A_335 = arith.constant 96 : index
        %get3A_336 = tpu.vector_load %arg7[%get3A_334, %get3A_335] {strides = array<i32>} : memref<200x128xf32, #tpu.memory_space<vmem>>, vector<1x16xf32>,
        %get3A_337 = vector.shape_cast %get3A_336 : vector<1x16xf32> to vector<16xf32>
        %swap3A_338 = arith.index_cast %scan3A_239 : i32 to index
        %swap3A_339 = arith.constant 96 : index
        %swap3A_340 = tpu.vector_load %arg9[%swap3A_338, %swap3A_339] {strides = array<i32>} : memref<400x128xf32, #tpu.memory_space<vmem>>, vector<1x16xf32>,
        %swap3A_341 = vector.shape_cast %swap3A_340 : vector<1x16xf32> to vector<16xf32>
        %swap3A_342 = vector.shape_cast %get3A_337 : vector<16xf32> to vector<1x16xf32>
        tpu.vector_store %arg9[%swap3A_338, %swap3A_339], %swap3A_342 {add = true, strides = array<i32>} : memref<400x128xf32, #tpu.memory_space<vmem>>, vector<1x16xf32>,
        %add3A_343 = arith.constant 200 : i32
        %add3A_344 = arith.addi %scan3A_239, %add3A_343 : i32
        %swap3A_345 = arith.index_cast %add3A_344 : i32 to index
        %swap3A_346 = arith.constant 96 : index
        %swap3A_347 = tpu.vector_load %arg9[%swap3A_345, %swap3A_346] {strides = array<i32>} : memref<400x128xf32, #tpu.memory_space<vmem>>, vector<1x16xf32>,
        %swap3A_348 = vector.shape_cast %swap3A_347 : vector<1x16xf32> to vector<16xf32>
        %swap3A_349 = vector.shape_cast %get3A_337 : vector<16xf32> to vector<1x16xf32>
        tpu.vector_store %arg9[%swap3A_345, %swap3A_346], %swap3A_349 {add = true, strides = array<i32>} : memref<400x128xf32, #tpu.memory_space<vmem>>, vector<1x16xf32>,
        %get3A_350 = arith.index_cast %scan3A_239 : i32 to index
        %get3A_351 = arith.constant 112 : index
        %get3A_352 = tpu.vector_load %arg7[%get3A_350, %get3A_351] {strides = array<i32>} : memref<200x128xf32, #tpu.memory_space<vmem>>, vector<1x16xf32>,
        %get3A_353 = vector.shape_cast %get3A_352 : vector<1x16xf32> to vector<16xf32>
        %swap3A_354 = arith.index_cast %scan3A_239 : i32 to index
        %swap3A_355 = arith.constant 112 : index
        %swap3A_356 = tpu.vector_load %arg9[%swap3A_354, %swap3A_355] {strides = array<i32>} : memref<400x128xf32, #tpu.memory_space<vmem>>, vector<1x16xf32>,
        %swap3A_357 = vector.shape_cast %swap3A_356 : vector<1x16xf32> to vector<16xf32>
        %swap3A_358 = vector.shape_cast %get3A_353 : vector<16xf32> to vector<1x16xf32>
        tpu.vector_store %arg9[%swap3A_354, %swap3A_355], %swap3A_358 {add = true, strides = array<i32>} : memref<400x128xf32, #tpu.memory_space<vmem>>, vector<1x16xf32>,
        %add3A_359 = arith.constant 200 : i32
        %add3A_360 = arith.addi %scan3A_239, %add3A_359 : i32
        %swap3A_361 = arith.index_cast %add3A_360 : i32 to index
        %swap3A_362 = arith.constant 112 : index
        %swap3A_363 = tpu.vector_load %arg9[%swap3A_361, %swap3A_362] {strides = array<i32>} : memref<400x128xf32, #tpu.memory_space<vmem>>, vector<1x16xf32>,
        %swap3A_364 = vector.shape_cast %swap3A_363 : vector<1x16xf32> to vector<16xf32>
        %swap3A_365 = vector.shape_cast %get3A_353 : vector<16xf32> to vector<1x16xf32>
        tpu.vector_store %arg9[%swap3A_361, %swap3A_362], %swap3A_365 {add = true, strides = array<i32>} : memref<400x128xf32, #tpu.memory_space<vmem>>, vector<1x16xf32>,
      }
      %scan3A_231 = arith.constant 200 : i32
      %mul3A_232 = arith.constant 400 : i32
      %mul3A_233 = arith.muli %add3A_159, %mul3A_232 : i32
      %add3A_234 = arith.addi %mul3A_2, %mul3A_233 : i32
      %dma_start3A_235 = arith.constant 0 : i32
      %dma_start3A_236 = tpu.memref_slice %arg5[%add3A_234, %dma_start3A_235] : memref<819200x128xf32, #tpu.memory_space<hbm>> -> memref<400x128xf32, #tpu.memory_space<hbm>>
      %dma_start3A_237 = arith.constant 0 : i32
      %dma_start3A_238 = tpu.memref_slice %arg5[%add3A_234, %dma_start3A_237] : memref<819200x128xf32, #tpu.memory_space<hbm>> -> memref<400x128xf32, #tpu.memory_space<hbm>>
      tpu.enqueue_dma source(%arg9 : memref<400x128xf32, #tpu.memory_space<vmem>>) target(%dma_start3A_238 : memref<400x128xf32, #tpu.memory_space<hbm>>) target_semaphore(%arg12 : memref<!tpu.dma_semaphore, #tpu.memory_space<semaphore_mem>>)
    }
    %scan3A_69 = arith.constant 32 : i32
    %add3A_70 = arith.constant 24800 : i32
    %add3A_71 = arith.addi %mul3A_2, %add3A_70 : i32
    %dma_wait3A_72 = arith.constant 0 : i32
    %dma_wait3A_73 = tpu.memref_slice %arg5[%add3A_71, %dma_wait3A_72] : memref<819200x128xf32, #tpu.memory_space<hbm>> -> memref<400x128xf32, #tpu.memory_space<hbm>>
    %dma_wait3A_74 = arith.constant 0 : i32
    %dma_wait3A_75 = tpu.memref_slice %arg5[%add3A_71, %dma_wait3A_74] : memref<819200x128xf32, #tpu.memory_space<hbm>> -> memref<400x128xf32, #tpu.memory_space<hbm>>
    tpu.wait_dma2 semaphore(%arg12 : memref<!tpu.dma_semaphore, #tpu.memory_space<semaphore_mem>>) src(%arg8 : memref<400x128xf32, #tpu.memory_space<vmem>>) dst(%dma_wait3A_75 : memref<400x128xf32, #tpu.memory_space<hbm>>)
    %add3A_76 = arith.constant 25200 : i32
    %add3A_77 = arith.addi %mul3A_2, %add3A_76 : i32
    %dma_wait3A_78 = arith.constant 0 : i32
    %dma_wait3A_79 = tpu.memref_slice %arg5[%add3A_77, %dma_wait3A_78] : memref<819200x128xf32, #tpu.memory_space<hbm>> -> memref<400x128xf32, #tpu.memory_space<hbm>>
    %dma_wait3A_80 = arith.constant 0 : i32
    %dma_wait3A_81 = tpu.memref_slice %arg5[%add3A_77, %dma_wait3A_80] : memref<819200x128xf32, #tpu.memory_space<hbm>> -> memref<400x128xf32, #tpu.memory_space<hbm>>
    tpu.wait_dma2 semaphore(%arg12 : memref<!tpu.dma_semaphore, #tpu.memory_space<semaphore_mem>>) src(%arg9 : memref<400x128xf32, #tpu.memory_space<vmem>>) dst(%dma_wait3A_81 : memref<400x128xf32, #tpu.memory_space<hbm>>)
    return
  }
}

</mosaic_0001>

<sc_bundles>
// kernel: kernel.3.cloned.1.call-start
scs
__scs_entry_jumppad:
0x0: {  	(pc) =	sbr.rel $0x88, $3  }
0x1: {  	(tag) =	ssettag $0x0;
	lr =	simm.s32 $0x1  }
0x2: {  	[smem:$0x3F9E] =	sst lr;
	_ =	strace $0xD0000000  }
0x3: {  	_ = 	snop  }
0x4: {  	_ = 	snop  }
0x5: {  	_ = 	snop  }
0x6: {  	_ = 	snop  }
0x7: {  	_ = 	snop  }
__scs_overlays_trampoline_lowered:
0x8: {  	[smem:$0x3FAD] =	sst s0  }
0x9: {  	[smem:$0x3FAE] =	sst s1  }
0xa: {  	[smem:$0x3FAF] =	sst s2  }
0xb: {  	[smem:$0x3FB0] =	sst s3  }
0xc: {  	[smem:$0x3FB1] =	sst s4  }
0xd: {  	[smem:$0x3FB2] =	sst s5  }
0xe: {  	[smem:$0x3FB3] =	sst s6  }
0xf: {  	[smem:$0x3FB4] =	sst s7  }
0x10: {  	[smem:$0x3FB5] =	sst s8  }
0x11: {  	[smem:$0x3FB6] =	sst s9;
	s0 =	simm.s32 @!p0 $0x0  }
0x12: {  	s1 =	sld [smem:$0x3F9C];
	s0 =	simm.s32 @p0 $0x1  }
0x13: {  	[smem:$0x3FB7] =	sst s0;
	s0 =	simm.s32 @!p1 $0x0  }
0x14: {  	s2 =	sld [smem:$0x3F9B];
	s0 =	simm.s32 @p1 $0x1  }
0x15: {  	[smem:$0x3FB8] =	sst s0;
	s0 =	simm.s32 @!p2 $0x0  }
0x16: {  	s3 =	sld [smem:$0x3FDB];
	s0 =	simm.s32 @p2 $0x1  }
0x17: {  	s4 =	simm.s32 $0x1BF5;
	[smem:$0x3FBA] =	sst s0  }
0x18: {  	s0 =	sld [smem:$0x3F9D];
	_ =	swait.ge [sflag:s4], $0x0  }
0x19: {  	s7 =	sld [smem:$0x3F9E]  }
0x1a: {  	s8 =	sadd.s32 $0xFFFFE003, lr  }
0x1b: {  	s9 =	sadd.s32 $0xFFFFFEF7, lr;
	s5 =	simm.s32 $0xFFFFFFFF;
	p2 =	slt.u32 s8, $0xFFFFF086  }
0x1c: {  	p1 =	slt.u32 s9, $0xF7A;
	s5 =	simm.s32 @!p2 $0x0  }
0x1d: {  	s5 =	simm.s32 @p1 $0x1;
	p0 =	seq.s32 s7, s2  }
0x1e: {  	s7 =	smul.u32 @!p0 $0xF7A, s2;
	p2 =	seq.s32 @!p0 s5, $0x0  }
0x1f: {  	s9 =	smul.u32 $0xF7A, s1;
	s8 =	simm.s32 @!p0 $0x1BF5;
	p2 =	por !p2, p0  }
0x20: {  	[sflag:s8] =	ssyncset.s32 @!p0 $0xFFFFF086;
	s6 =	sadd.s32 @!p0 s3, s7;
	s7 =	simm.s32 @!p0 $0x108  }
0x21: {  	s3 =	sadd.s32 s3, s9;
	s6 =	sadd.s32 @!p0 $0x88, s6;
	s7 =	simm.s32 @p2 $0x1082  }
0x22: {  	[simem:s7], [sflag:s8] =	dma.local @!p0 [hbm:s6], $0xF7A  }
0x23: {  	s9 =	sor.u32 $0xD0000000, s2;
	s6 =	simm.s32 $0x108;
	_ =	swait.ge @!p0 [sflag:s8], $0x0  }
0x24: {  	s3 =	sadd.s32 $0x88, s3;
	s6 =	simm.s32 @!p1 $0x1082;
	[sflag:s4] =	ssyncset.s32 $0xFFFFF086  }
0x25: {  	[simem:s6], [sflag:s4] =	dma.local [hbm:s3], $0xF7A  }
0x26: {  	[smem:$0x3F9E] =	sst s1;
	(tag) =	ssettag s2;
	_ =	strace s9  }
0x27: {  	s1 =	sld [smem:$0x3FAE]  }
0x28: {  	s2 =	sld [smem:$0x3FAF]  }
0x29: {  	s4 =	sld [smem:$0x3FB1]  }
0x2a: {  	p0 =	seq.s32 s5, $0x0;
	s5 =	sld [smem:$0x3FB2]  }
0x2b: {  	s6 =	sld [smem:$0x3FB3]  }
0x2c: {  	s7 =	sld [smem:$0x3FB4]  }
0x2d: {  	s3 =	simm.s32 $0x108;
	s8 =	sld [smem:$0x3FB5]  }
0x2e: {  	s3 =	simm.s32 @!p0 $0x1082;
	s9 =	sld [smem:$0x3FB6]  }
0x2f: {  	lr =	sadd.s32 s0, s3;
	s0 =	sld [smem:$0x3FAD]  }
0x30: {  	s3 =	sld [smem:$0x3FB0]  }
0x31: {  	[smem:$0x3FB9] =	sst s10  }
0x32: {  	s10 =	sld [smem:$0x3FB7];
	_ =	sdelay $0x3  }
0x33: {  	p0 =	seq.s32 s10, $0x1;
	s10 =	sld [smem:$0x3FB9];
	_ =	sdelay $0x3  }
0x34: {  	[smem:$0x3FB9] =	sst s10  }
0x35: {  	s10 =	sld [smem:$0x3FB8];
	_ =	sdelay $0x3  }
0x36: {  	p1 =	seq.s32 s10, $0x1;
	s10 =	sld [smem:$0x3FB9];
	_ =	sdelay $0x3  }
0x37: {  	[smem:$0x3FB9] =	sst s10  }
0x38: {  	s10 =	sld [smem:$0x3FBA]  }
0x39: {  	_ = 	snop;
	(pc) =	sbr.ind lr, $3  }
0x3a: {  	_ = 	snop  }
0x3b: {  	_ = 	snop  }
0x3c: {  	p2 =	seq.s32 s10, $0x1;
	s10 =	sld [smem:$0x3FB9]  }
0x3d: {  	_ =	shalt  }
0x3e: {  	_ =	shalt  }
0x3f: {  	_ =	shalt  }
0x40: {  	_ =	shalt  }
0x41: {  	_ =	shalt  }
0x42: {  	_ =	shalt  }
0x43: {  	_ =	shalt  }
0x44: {  	_ =	shalt  }
0x45: {  	_ =	shalt  }
0x46: {  	_ =	shalt  }
0x47: {  	_ =	shalt  }
0x48: {  	_ =	shalt  }
0x49: {  	_ =	shalt  }
0x4a: {  	_ =	shalt  }
0x4b: {  	_ =	shalt  }
0x4c: {  	_ =	shalt  }
0x4d: {  	_ =	shalt  }
0x4e: {  	_ =	shalt  }
0x4f: {  	_ =	shalt  }
0x50: {  	_ =	shalt  }
0x51: {  	_ =	shalt  }
0x52: {  	_ =	shalt  }
0x53: {  	_ =	shalt  }
0x54: {  	_ =	shalt  }
0x55: {  	_ =	shalt  }
0x56: {  	_ =	shalt  }
0x57: {  	_ =	shalt  }
0x58: {  	_ =	shalt  }
0x59: {  	_ =	shalt  }
0x5a: {  	_ =	shalt  }
0x5b: {  	_ =	shalt  }
0x5c: {  	_ =	shalt  }
0x5d: {  	_ =	shalt  }
0x5e: {  	_ =	shalt  }
0x5f: {  	_ =	shalt  }
0x60: {  	_ =	shalt  }
0x61: {  	_ =	shalt  }
0x62: {  	_ =	shalt  }
0x63: {  	_ =	shalt  }
0x64: {  	_ =	shalt  }
0x65: {  	_ =	shalt  }
0x66: {  	_ =	shalt  }
0x67: {  	_ =	shalt  }
0x68: {  	_ =	shalt  }
0x69: {  	_ =	shalt  }
0x6a: {  	_ =	shalt  }
0x6b: {  	_ =	shalt  }
0x6c: {  	_ =	shalt  }
0x6d: {  	_ =	shalt  }
0x6e: {  	_ =	shalt  }
0x6f: {  	_ =	shalt  }
0x70: {  	_ =	shalt  }
0x71: {  	_ =	shalt  }
0x72: {  	_ =	shalt  }
0x73: {  	_ =	shalt  }
0x74: {  	_ =	shalt  }
0x75: {  	_ =	shalt  }
0x76: {  	_ =	shalt  }
0x77: {  	_ =	shalt  }
0x78: {  	_ =	shalt  }
0x79: {  	_ =	shalt  }
0x7a: {  	_ =	shalt  }
0x7b: {  	_ =	shalt  }
0x7c: {  	_ =	shalt  }
0x7d: {  	_ =	shalt  }
0x7e: {  	_ =	shalt  }
0x7f: {  	_ =	shalt  }
0x80: {  	_ =	shalt  }
0x81: {  	_ =	shalt  }
0x82: {  	_ =	shalt  }
0x83: {  	_ =	shalt  }
0x84: {  	_ =	shalt  }
0x85: {  	_ =	shalt  }
0x86: {  	_ =	shalt  }
0x87: {  	_ =	shalt  }
.Lfunc_end0:
.L_simem_size_0:
called_computation_lowered:
.L_overlay_start_0:
0x88: {  	s2 =	sld [smem:$0x3FD9]  }
0x89: {  	s3 =	sld [smem:$0x3FFE];
	_ =	sdelay $0x1  }
0x8a: {  	s1 =	srdreg.scid  }
0x8b: {  	s0 =	sand.u32 $0x1, s1  }
0x8c: {  	s17 =	sshll.u32 s0, $0xA;
	s2 =	sadd.s32 s3, s2  }
0x8d: {  	s2 =	sadd.s32 s2, s17  }
0x8e: {  	[smem:$0x3FC5] =	sst s2  }
0x8f: {  	_ = 	snop  }
0x90: {  	s2 =	sld [smem:$0x3FC8]  }
0x91: {  	s18 =	sld [smem:$0x3FC7]  }
0x92: {  	s4 =	sld [smem:$0x3FD0];
	(tm) =	ssettm $0x1  }
0x93: {  	s5 =	sld [smem:$0x3FFB];
	_ =	sdelay $0x3  }
0x94: {  	_ =	strace s5  }
0x95: {  	s5 =	sld [smem:$0x3FFC];
	_ =	sdelay $0x3  }
0x96: {  	_ =	strace s5  }
0x97: {  	s5 =	sld [smem:$0x3FFD];
	_ =	sdelay $0x3  }
0x98: {  	_ =	strace s5  }
0x99: {  	_ =	strace $0x8FFFFFFF  }
0x9a: {  	s19 =	sld [smem:$0x3FDB];
	_ =	sdelay $0x1  }
0x9b: {  	s6 =	simm.s32 $_scs_section_size  }
0x9c: {  	s7 =	simm.s32 $_size__tile_overlayer_lowered;
	s8 =	simm.s32 $_tile_overlayer_lowered  }
0x9d: {  	s22 =	simm.s32 $0x1BFF;
	s21 =	sshll.u32 s8, $0x1;
	s5 =	sadd.s32 s6, s19  }
0x9e: {  	s9 =	simm.s32 $0x0;
	s20 =	sshll.u32 s7, $0x1;
	s7 =	sadd.s32 s21, s5  }
0x9f: {  	[timem:s9], [sflag:s22] =	dma.local [hbm:s7], s20  }
0xa0: {  	_ =	swait.ge [sflag:s22], s20  }
0xa1: {  	s6 =	ssub.s32 $0x0, s20;
	[sflag:s22] =	ssyncset.done $0x0  }
0xa2: {  	[sflag:s22] =	ssyncadd.s32 s6;
	_ =	sdelay $0x1  }
0xa3: {  	s23 =	simm.s32 $0x1B8B  }
0xa4: {  	_ =	swait.ge [sflag:s23], $0x1  }
0xa5: {  	[sflag:s23] =	ssyncset.done $0x0  }
0xa6: {  	s25 =	simm.s32 $0x1B8E;
	s24 =	sld [smem:$0x3FFE];
	[sflag:s23] =	ssyncadd.s32 $0xFFFFFFFF  }
0xa7: {  	s26 =	simm.s32 $execute0_lowered;
	[smem:$0x3FD2] =	sst s25  }
0xa8: {  	s7 =	sshll.u32 s26, $0x1;
	_ =	strace $0x80000046;
	[dreg:$0x1] =	wrdreg $0xFFFFFFFF  }
0xa9: {  	s28 =	simm.s32 $_size_execute0_lowered;
	s5 =	sadd.s32 s5, s7;
	[dreg:$0x0] =	wrdreg $0x0  }
0xaa: {  	s7 =	sshll.u32 s28, $0x1;
	[dreg:$0x2] =	wrdreg s5  }
0xab: {  	[dreg:$0x3] =	wrdreg s7  }
0xac: {  	[dreg:$0x4] =	wrdreg $0xC0  }
0xad: {  	_ =	task [dreg:s9], $0x5FFFF  }
0xae: {  	[dreg:$0x1] =	wrdreg $0xFFFFFFFF  }
0xaf: {  	[dreg:$0x0] =	wrdreg $0x60  }
0xb0: {  	[dreg:$0x2] =	wrdreg s24  }
0xb1: {  	[dreg:$0x3] =	wrdreg s2  }
0xb2: {  	[dreg:$0x4] =	wrdreg s18  }
0xb3: {  	[dreg:$0x5] =	wrdreg s4  }
0xb4: {  	[dreg:$0x6] =	wrdreg $0x9  }
0xb5: {  	_ =	task.clear_ibuf [dreg:s9], $0x7FFFF;
	_ =	strace $0x90000046  }
0xb6: {  	s29 =	simm.s32 $0x9;
	_ =	strace $0x80000048  }
0xb7: {  	_ =	swait.ge [sflag:s29], $0x1  }
0xb8: {  	[sflag:s29] =	ssyncadd.s32 $0xFFFFFFFF  }
0xb9: {  	_ =	strace $0x90000048  }
0xba: {  	_ =	sfence  }
0xbb: {  	s30 =	sld [smem:$0x0];
	_ =	sdelay $0x2  }
0xbc: {  	s31 =	sshll.u32 s1, $0xD;
	s1 =	sshrl.u32 s1, $0x2  }
0xbd: {  	s3 =	sand.u32 $0x4000, s31;
	s1 =	sadd.s32 s1, s30  }
0xbe: {  	s0 =	sor.u32 s3, s0;
	s1 =	sshll.u32 s1, $0x11  }
0xbf: {  	s0 =	sor.u32 s1, s0  }
0xc0: {  	s0 =	sadd.s32 $0x8F2B, s0  }
0xc1: {  	[sflag:s0] =	ssyncadd.remote.s32 $0x1  }
0xc2: {  	_ =	sfence.sel $0xFFFF  }
0xc3: {  	[dreg:$0x0] =	wrdreg $0xFFFFFFFF;
	(pc) =	sbr.abs _section_cstart, $3  }
0xc4: {  	[dreg:$0x1] =	wrdreg $0xFFFFFFFF  }
0xc5: {  	_ =	task.clear_ibuf [dreg:s9], $0x2FFFF;
	_ =	strace $0x9FFFFFFF  }
0xc6: {  	(tm) =	ssettm $0x7FFFFFFF  }
0xc7: {  	_ =	shalt  }
tec
execute0_lowered:
.L_overlay_start_1:
0x0: {  	(tag) =	ssettag $0x1  }
0x1: {  	s0 =	rddreg [dreg:$0x0]  }
0x2: {  	s1 =	rddreg [dreg:$0x1];
	s2 =	srdreg.scid  }
0x3: {  	s3 =	stileid.u32;
	s4 =	rddreg [dreg:$0x3]  }
0x4: {  	s5 =	simm.s32 $0x0;
	s14 =	simm.s32 $0x4;
	s17 =	simm.s32 $0x1  }
0x5: {  	s18 =	simm.s32 $0x80;
	s19 =	simm.s32 $0x6A80;
	s23 =	simm.s32 $0x10  }
0x6: {  	s25 =	simm.s32 $0x12A80;
	s28 =	simm.s32 $0x13280;
	s29 =	simm.s32 $0x17280  }
0x7: {  	s30 =	simm.s32 $0x1B280;
	s2 =	sand.u32 $0x1, s2;
	s3 =	sshll.u32 s3, $0x1  }
0x8: {  	s31 =	simm.s32 $0x1F280;
	s3 =	sor.u32 s2, s3;
	s2 =	ssub.s32 $0x2, s2  }
0x9: {  	[smem:$0x7FF] =	sst s5;
	s6 =	smul.u32 $0x6400, s3;
	s26 =	sshrl.u32 s2, $0x1  }
0xa: {  	s7 =	sadd.s32 $0x400, s0;
	_ =	strace $0x80000047;
	s0 =	ssub.s32 s2, s26  }
0xb: {  	s26 =	simm.s32 $0x2;
	s2 =	simm.s32 $0x3;
	s3 =	sshrl.u32 s6, $0x3  }
0xc: {  	s11 =	sadd.s32 $0x640, s6;
	s12 =	smax.u32 s0, $0x1;
	s8 =	sadd.s32 s7, s3  }
0xd: {  	s0 =	simm.s32 $0x0;
	s9 =	sadd.s32 $0x32, s8;
	s10 =	sadd.s32 $0x64, s8  }
.LBB2_1:
0xe: {  	s3 =	rddreg [dreg:$0x2];
	s13 =	simm.s32 $0x680  }
0xf: {  	[tilespmem:s13], [sflag:$0x4] =	stream.linear.gather [hbm4b:s3+s5], $0x6400, $0x38;
	[tilespmem:$0x1FA80] =	vst v63  }
0x10: {  	_ =	swait.ge [sflag:s14], $0x6400  }
0x11: {  	[sflag:s14] =	ssyncset.done $0x0  }
0x12: {  	[sflag:s14] =	ssyncadd.s32 $0xFFFF9C00  }
0x13: {  	[tilespmem:s5], [sflag:$0x1] =	stream.linear.gather [hbm4b:s8+s5], $0x190, $0x38;
	[tilespmem:$0x1FA80] =	vst v63  }
0x14: {  	s15 =	simm.s32 $0x190  }
0x15: {  	[tilespmem:s15], [sflag:$0x1] =	stream.linear.gather [hbm4b:s9+s5], $0x190, $0x38;
	[tilespmem:$0x1FA80] =	vst v63  }
0x16: {  	s16 =	simm.s32 $0x320  }
0x17: {  	[tilespmem:s16], [sflag:$0x1] =	stream.linear.gather [hbm4b:s10+s5], $0x190, $0x38;
	[tilespmem:$0x1FA80] =	vst v63  }
0x18: {  	_ =	swait.ge [sflag:s17], $0x190  }
0x19: {  	[sflag:s17] =	ssyncset.done $0x0  }
0x1a: {  	[sflag:s17] =	ssyncadd.s32 $0xFFFFFE70  }
0x1b: {  	[tilespmem:s19], [sflag:$0x2] =	stream.indirect.gather [hbm4b:s1+s18], $0x80, s5, s18, $0xb8;
	[tilespmem:$0x1FA80] =	vst v63  }
0x1c: {  	s20 =	simm.s32 $0xAA80  }
0x1d: {  	[tilespmem:s20], [sflag:$0x2] =	stream.indirect.gather [hbm4b:s1+s18], $0x80, s18, s18, $0xb8;
	[tilespmem:$0x1FA80] =	vst v63  }
0x1e: {  	s21 =	simm.s32 $0x100;
	s22 =	simm.s32 $0xEA80  }
0x1f: {  	[tilespmem:s22], [sflag:$0x2] =	stream.indirect.gather [hbm4b:s1+s18], $0x80, s21, s18, $0xb8;
	[tilespmem:$0x1FA80] =	vst v63  }
0x20: {  	s24 =	simm.s32 $0x180;
	s3 =	simm.s32 $0x0  }
0x21: {  	[tilespmem:s25], [sflag:$0x2] =	stream.indirect.gather [hbm4b:s1+s23], $0x80, s24, s23, $0xb8;
	[tilespmem:$0x1FA80] =	vst v63  }
.LBB2_2:
0x22: {  	_ =	swait.ge [sflag:s26], $0x4000  }
0x23: {  	[sflag:s26] =	ssyncset.done $0x0  }
0x24: {  	[sflag:s26] =	ssyncadd.s32 $0xFFFFC000  }
0x25: {  	_ =	swait.ge [sflag:s26], $0x4000  }
0x26: {  	[sflag:s26] =	ssyncset.done $0x0  }
0x27: {  	[sflag:s26] =	ssyncadd.s32 $0xFFFFC000  }
0x28: {  	_ =	swait.ge [sflag:s26], $0x4000  }
0x29: {  	[sflag:s26] =	ssyncset.done $0x0  }
0x2a: {  	[sflag:s26] =	ssyncadd.s32 $0xFFFFC000  }
0x2b: {  	_ =	swait.ge [sflag:s26], $0x800  }
0x2c: {  	[sflag:s26] =	ssyncset.done $0x0  }
0x2d: {  	[sflag:s26] =	ssyncadd.s32 $0xFFFFF800  }
0x2e: {  	s16 =	sshll.u32 s3, $0x1;
	_ =	swait.ge [sflag:s17], $0x190  }
0x2f: {  	p0 =	seq.s32 s3, $0x0;
	s15 =	sand.u32 $0x2, s16;
	[sflag:s17] =	ssyncset.done $0x0  }
0x30: {  	s20 =	simm.s32 @!p0 $0x3;
	s13 =	smul.u32 $0x640, s15;
	[sflag:s17] =	ssyncadd.s32 $0xFFFFFE70  }
0x31: {  	_ =	swait.ge @!p0 [sflag:s20], $0xC800  }
0x32: {  	s13 =	sshrl.u32 s13, $0x2;
	[sflag:s20] =	ssyncset.done @!p0 $0x0  }
0x33: {  	s24 =	sadd.s32 $0x190, s13;
	[sflag:s20] =	ssyncadd.s32 @!p0 $0xFFFF3800;
	p0 =	seq.s32 s3, $0x1F  }
0x34: {  	[tilespmem:s28], [sflag:$0x2] =	stream.indirect.gather [hbm4b:s1+s18], $0x80, s24, s18, $0xb8;
	[tilespmem:$0x1FA80] =	vst v63  }
0x35: {  	s21 =	sadd.s32 $0x210, s13;
	s20 =	sadd.s32 @!p0 $0x3, s16  }
0x36: {  	[tilespmem:s29], [sflag:$0x2] =	stream.indirect.gather [hbm4b:s1+s18], $0x80, s21, s18, $0xb8;
	[tilespmem:$0x1FA80] =	vst v63  }
0x37: {  	s22 =	sadd.s32 $0x290, s13;
	s21 =	smul.u32 @!p0 $0x190, s20  }
0x38: {  	[tilespmem:s30], [sflag:$0x2] =	stream.indirect.gather [hbm4b:s1+s18], $0x80, s22, s18, $0xb8;
	[tilespmem:$0x1FA80] =	vst v63  }
0x39: {  	s20 =	sand.u32 @!p0 $0x3, s20;
	s21 =	sadd.s32 @!p0 s6, s21  }
0x3a: {  	s24 =	sadd.s32 $0x310, s13;
	s20 =	smul.u32 @!p0 $0x640, s20;
	s21 =	sshrl.u32 @!p0 s21, $0x3  }
0x3b: {  	[tilespmem:s31], [sflag:$0x2] =	stream.indirect.gather [hbm4b:s1+s23], $0x80, s24, s23, $0xb8;
	[tilespmem:$0x1FA80] =	vst v63  }
0x3c: {  	s22 =	simm.s32 @!p0 $0x0;
	s20 =	sshrl.u32 @!p0 s20, $0x2;
	s21 =	sadd.s32 @!p0 s7, s21  }
0x3d: {  	[tilespmem:s20], [sflag:$0x1] =	stream.linear.gather @!p0 [hbm4b:s21+s22], $0x190, $0x38;
	[tilespmem:$0x1FA80] =	vst v63  }
0x3e: {  	s20 =	simm.s32 $0x0;
	s21 =	simm.s32 $0x200  }
.LBB2_3:
0x3f: {  	p0 =	sne.s32 s21, $0x18E00;
	v0 =	vld [tilespmem:s20+$0x6F0]  }
0x40: {  	v1 =	vld [tilespmem:s20+$0x680]  }
0x41: {  	v2 =	vld [tilespmem:s20+$0x690]  }
0x42: {  	v3 =	vld [tilespmem:s20+$0x6A0]  }
0x43: {  	v4 =	vld [tilespmem:s20+$0x6B0]  }
0x44: {  	[tilespmem:s20+$0xCEF0] =	vst.add.f32.msk $0xffff, v0  }
0x45: {  	v5 =	vld [tilespmem:s20+$0x6C0]  }
0x46: {  	v6 =	vld [tilespmem:s20+$0x6D0]  }
0x47: {  	v7 =	vld [tilespmem:s20+$0x6E0]  }
0x48: {  	[tilespmem:s20+$0x6A80] =	vst.add.f32.msk $0xffff, v1  }
0x49: {  	[tilespmem:s20+$0xCE80] =	vst.add.f32.msk $0xffff, v1  }
0x4a: {  	[tilespmem:s20+$0x6A90] =	vst.add.f32.msk $0xffff, v2  }
0x4b: {  	[tilespmem:s20+$0xCE90] =	vst.add.f32.msk $0xffff, v2  }
0x4c: {  	[tilespmem:s20+$0x6AA0] =	vst.add.f32.msk $0xffff, v3  }
0x4d: {  	[tilespmem:s20+$0xCEA0] =	vst.add.f32.msk $0xffff, v3  }
0x4e: {  	[tilespmem:s20+$0x6AB0] =	vst.add.f32.msk $0xffff, v4  }
0x4f: {  	[tilespmem:s20+$0xCEB0] =	vst.add.f32.msk $0xffff, v4  }
0x50: {  	[tilespmem:s20+$0x6AC0] =	vst.add.f32.msk $0xffff, v5  }
0x51: {  	[tilespmem:s20+$0xCEC0] =	vst.add.f32.msk $0xffff, v5  }
.Ltmp0:
0x52: {  	[tilespmem:s20+$0x6AD0] =	vst.add.f32.msk $0xffff, v6;
	(pc) =	sbr.rel @p0 .LBB2_3-.Ltmp0, $4  }
0x53: {  	[tilespmem:s20+$0xCED0] =	vst.add.f32.msk $0xffff, v6  }
0x54: {  	[tilespmem:s20+$0x6AE0] =	vst.add.f32.msk $0xffff, v7  }
0x55: {  	[tilespmem:s20+$0xCEE0] =	vst.add.f32.msk $0xffff, v7  }
0x56: {  	[tilespmem:s20+$0x6AF0] =	vst.add.f32.msk $0xffff, v0;
	s20 =	sshra.s32 s21, $0x2;
	s21 =	sadd.s32 $0x200, s21  }
0x57: {  	v0 =	vld [tilespmem:s20+$0x6F0]  }
0x58: {  	v1 =	vld [tilespmem:s20+$0x680]  }
0x59: {  	v2 =	vld [tilespmem:s20+$0x690]  }
0x5a: {  	v3 =	vld [tilespmem:s20+$0x6A0]  }
0x5b: {  	v4 =	vld [tilespmem:s20+$0x6B0]  }
0x5c: {  	v5 =	vld [tilespmem:s20+$0x6C0]  }
0x5d: {  	v6 =	vld [tilespmem:s20+$0x6D0]  }
0x5e: {  	v7 =	vld [tilespmem:s20+$0x6E0]  }
0x5f: {  	[tilespmem:s20+$0xCEF0] =	vst.add.f32.msk $0xffff, v0  }
0x60: {  	[tilespmem:s20+$0x6A80] =	vst.add.f32.msk $0xffff, v1  }
0x61: {  	[tilespmem:s20+$0xCE80] =	vst.add.f32.msk $0xffff, v1  }
0x62: {  	[tilespmem:s20+$0x6A90] =	vst.add.f32.msk $0xffff, v2  }
0x63: {  	[tilespmem:s20+$0xCE90] =	vst.add.f32.msk $0xffff, v2  }
0x64: {  	[tilespmem:s20+$0x6AA0] =	vst.add.f32.msk $0xffff, v3  }
0x65: {  	[tilespmem:s20+$0xCEA0] =	vst.add.f32.msk $0xffff, v3  }
0x66: {  	[tilespmem:s20+$0x6AB0] =	vst.add.f32.msk $0xffff, v4  }
0x67: {  	[tilespmem:s20+$0xCEB0] =	vst.add.f32.msk $0xffff, v4  }
0x68: {  	[tilespmem:s20+$0x6AC0] =	vst.add.f32.msk $0xffff, v5  }
0x69: {  	[tilespmem:s20+$0xCEC0] =	vst.add.f32.msk $0xffff, v5  }
0x6a: {  	s21 =	smul.u32 $0x320, s3;
	[tilespmem:s20+$0x6AD0] =	vst.add.f32.msk $0xffff, v6  }
0x6b: {  	[tilespmem:s20+$0xCED0] =	vst.add.f32.msk $0xffff, v6  }
0x6c: {  	s22 =	sadd.s32 s6, s21;
	[tilespmem:s20+$0x6AE0] =	vst.add.f32.msk $0xffff, v7  }
0x6d: {  	s22 =	sshll.u32 s22, $0x4;
	[tilespmem:s20+$0xCEE0] =	vst.add.f32.msk $0xffff, v7  }
0x6e: {  	s24 =	sadd.s32 s4, s22;
	[tilespmem:s20+$0x6AF0] =	vst.add.f32.msk $0xffff, v0  }
0x6f: {  	[hbm4b:s24+s5] =	stream.linear.scatter [tilespmem:s19], [sflag:$0x3], $0xC800, $0x38;
	[tilespmem:$0x1FA80] =	vst v63  }
0x70: {  	_ =	swait.ge [sflag:s26], $0x4000  }
0x71: {  	[sflag:s26] =	ssyncset.done $0x0  }
0x72: {  	[sflag:s26] =	ssyncadd.s32 $0xFFFFC000  }
0x73: {  	_ =	swait.ge [sflag:s26], $0x4000  }
0x74: {  	[sflag:s26] =	ssyncset.done $0x0  }
0x75: {  	[sflag:s26] =	ssyncadd.s32 $0xFFFFC000  }
0x76: {  	_ =	swait.ge [sflag:s26], $0x4000  }
0x77: {  	[sflag:s26] =	ssyncset.done $0x0  }
0x78: {  	[sflag:s26] =	ssyncadd.s32 $0xFFFFC000  }
0x79: {  	s16 =	sor.u32 $0x1, s16;
	_ =	swait.ge [sflag:s26], $0x800  }
0x7a: {  	p0 =	sgt.u32 s16, $0x3E;
	[sflag:s26] =	ssyncset.done $0x0  }
0x7b: {  	s20 =	simm.s32 @!p0 $0x1;
	[sflag:s26] =	ssyncadd.s32 $0xFFFFF800  }
0x7c: {  	_ =	swait.ge @!p0 [sflag:s20], $0x190  }
0x7d: {  	[sflag:s20] =	ssyncset.done @!p0 $0x0  }
0x7e: {  	s15 =	sxor.u32 @!p0 $0x2, s15;
	[sflag:s20] =	ssyncadd.s32 @!p0 $0xFFFFFE70;
	s20 =	simm.s32 @!p0 $0x3  }
0x7f: {  	s15 =	smul.u32 @!p0 $0x640, s15;
	_ =	swait.ge @!p0 [sflag:s20], $0xC800  }
0x80: {  	s22 =	simm.s32 @!p0 $0x6A80;
	[sflag:s20] =	ssyncset.done @!p0 $0x0  }
0x81: {  	s15 =	sshrl.u32 @!p0 s15, $0x2;
	[sflag:s20] =	ssyncadd.s32 @!p0 $0xFFFF3800;
	s20 =	simm.s32 @!p0 $0x80  }
0x82: {  	[tilespmem:s22], [sflag:$0x2] =	stream.indirect.gather @!p0 [hbm4b:s1+s20], $0x80, s15, s20, $0xb8;
	[tilespmem:$0x1FA80] =	vst v63  }
0x83: {  	s24 =	simm.s32 @!p0 $0xAA80;
	s22 =	sadd.s32 @!p0 $0x80, s15  }
0x84: {  	[tilespmem:s24], [sflag:$0x2] =	stream.indirect.gather @!p0 [hbm4b:s1+s20], $0x80, s22, s20, $0xb8;
	[tilespmem:$0x1FA80] =	vst v63  }
0x85: {  	s22 =	sadd.s32 @!p0 $0x100, s15;
	s24 =	simm.s32 @!p0 $0xEA80  }
0x86: {  	[tilespmem:s24], [sflag:$0x2] =	stream.indirect.gather @!p0 [hbm4b:s1+s20], $0x80, s22, s20, $0xb8;
	[tilespmem:$0x1FA80] =	vst v63  }
0x87: {  	s15 =	sadd.s32 @!p0 $0x180, s15;
	s20 =	simm.s32 @!p0 $0x10;
	s22 =	simm.s32 @!p0 $0x12A80  }
0x88: {  	[tilespmem:s22], [sflag:$0x2] =	stream.indirect.gather @!p0 [hbm4b:s1+s20], $0x80, s15, s20, $0xb8;
	[tilespmem:$0x1FA80] =	vst v63  }
0x89: {  	p0 =	sgt.u32 s3, $0x1D  }
0x8a: {  	s15 =	sadd.s32 @!p0 s21, s11  }
0x8b: {  	s15 =	sshrl.u32 @!p0 s15, $0x3  }
0x8c: {  	s20 =	simm.s32 @!p0 $0x0;
	s15 =	sadd.s32 @!p0 s7, s15  }
0x8d: {  	[tilespmem:s13], [sflag:$0x1] =	stream.linear.gather @!p0 [hbm4b:s15+s20], $0x190, $0x38;
	[tilespmem:$0x1FA80] =	vst v63  }
0x8e: {  	s13 =	simm.s32 $0x0;
	s15 =	simm.s32 $0x200  }
.LBB2_5:
0x8f: {  	p0 =	sne.s32 s15, $0x18E00;
	v0 =	vld [tilespmem:s13+$0x6F0]  }
0x90: {  	v1 =	vld [tilespmem:s13+$0x680]  }
0x91: {  	v2 =	vld [tilespmem:s13+$0x690]  }
0x92: {  	v3 =	vld [tilespmem:s13+$0x6A0]  }
0x93: {  	v4 =	vld [tilespmem:s13+$0x6B0]  }
0x94: {  	[tilespmem:s13+$0x196F0] =	vst.add.f32.msk $0xffff, v0  }
0x95: {  	v5 =	vld [tilespmem:s13+$0x6C0]  }
0x96: {  	v6 =	vld [tilespmem:s13+$0x6D0]  }
0x97: {  	v7 =	vld [tilespmem:s13+$0x6E0]  }
0x98: {  	[tilespmem:s13+$0x13280] =	vst.add.f32.msk $0xffff, v1  }
0x99: {  	[tilespmem:s13+$0x19680] =	vst.add.f32.msk $0xffff, v1  }
0x9a: {  	[tilespmem:s13+$0x13290] =	vst.add.f32.msk $0xffff, v2  }
0x9b: {  	[tilespmem:s13+$0x19690] =	vst.add.f32.msk $0xffff, v2  }
0x9c: {  	[tilespmem:s13+$0x132A0] =	vst.add.f32.msk $0xffff, v3  }
0x9d: {  	[tilespmem:s13+$0x196A0] =	vst.add.f32.msk $0xffff, v3  }
0x9e: {  	[tilespmem:s13+$0x132B0] =	vst.add.f32.msk $0xffff, v4  }
0x9f: {  	[tilespmem:s13+$0x196B0] =	vst.add.f32.msk $0xffff, v4  }
0xa0: {  	[tilespmem:s13+$0x132C0] =	vst.add.f32.msk $0xffff, v5  }
0xa1: {  	[tilespmem:s13+$0x196C0] =	vst.add.f32.msk $0xffff, v5  }
.Ltmp1:
0xa2: {  	[tilespmem:s13+$0x132D0] =	vst.add.f32.msk $0xffff, v6;
	(pc) =	sbr.rel @p0 .LBB2_5-.Ltmp1, $4  }
0xa3: {  	[tilespmem:s13+$0x196D0] =	vst.add.f32.msk $0xffff, v6  }
0xa4: {  	[tilespmem:s13+$0x132E0] =	vst.add.f32.msk $0xffff, v7  }
0xa5: {  	[tilespmem:s13+$0x196E0] =	vst.add.f32.msk $0xffff, v7  }
0xa6: {  	[tilespmem:s13+$0x132F0] =	vst.add.f32.msk $0xffff, v0;
	s13 =	sshra.s32 s15, $0x2;
	s15 =	sadd.s32 $0x200, s15  }
0xa7: {  	v0 =	vld [tilespmem:s13+$0x6F0]  }
0xa8: {  	v1 =	vld [tilespmem:s13+$0x680]  }
0xa9: {  	v2 =	vld [tilespmem:s13+$0x690]  }
0xaa: {  	v3 =	vld [tilespmem:s13+$0x6A0]  }
0xab: {  	v4 =	vld [tilespmem:s13+$0x6B0]  }
0xac: {  	v5 =	vld [tilespmem:s13+$0x6C0]  }
0xad: {  	v6 =	vld [tilespmem:s13+$0x6D0]  }
0xae: {  	v7 =	vld [tilespmem:s13+$0x6E0]  }
0xaf: {  	[tilespmem:s13+$0x196F0] =	vst.add.f32.msk $0xffff, v0  }
0xb0: {  	[tilespmem:s13+$0x13280] =	vst.add.f32.msk $0xffff, v1  }
0xb1: {  	[tilespmem:s13+$0x19680] =	vst.add.f32.msk $0xffff, v1  }
0xb2: {  	[tilespmem:s13+$0x13290] =	vst.add.f32.msk $0xffff, v2  }
0xb3: {  	[tilespmem:s13+$0x19690] =	vst.add.f32.msk $0xffff, v2  }
0xb4: {  	[tilespmem:s13+$0x132A0] =	vst.add.f32.msk $0xffff, v3  }
0xb5: {  	[tilespmem:s13+$0x196A0] =	vst.add.f32.msk $0xffff, v3  }
0xb6: {  	[tilespmem:s13+$0x132B0] =	vst.add.f32.msk $0xffff, v4  }
0xb7: {  	[tilespmem:s13+$0x196B0] =	vst.add.f32.msk $0xffff, v4  }
0xb8: {  	[tilespmem:s13+$0x132C0] =	vst.add.f32.msk $0xffff, v5  }
0xb9: {  	s3 =	sadd.s32 $0x1, s3;
	[tilespmem:s13+$0x196C0] =	vst.add.f32.msk $0xffff, v5  }
0xba: {  	s15 =	smul.u32 $0x190, s16;
	p0 =	sne.s32 s3, $0x20;
	[tilespmem:s13+$0x132D0] =	vst.add.f32.msk $0xffff, v6  }
.Ltmp2:
0xbb: {  	[tilespmem:s13+$0x196D0] =	vst.add.f32.msk $0xffff, v6;
	(pc) =	sbr.rel @p0 .LBB2_2-.Ltmp2, $4  }
0xbc: {  	s15 =	sadd.s32 s6, s15;
	[tilespmem:s13+$0x132E0] =	vst.add.f32.msk $0xffff, v7  }
0xbd: {  	s15 =	sshll.u32 s15, $0x4;
	[tilespmem:s13+$0x196E0] =	vst.add.f32.msk $0xffff, v7  }
0xbe: {  	s24 =	sadd.s32 s4, s15;
	[tilespmem:s13+$0x132F0] =	vst.add.f32.msk $0xffff, v0  }
0xbf: {  	[hbm4b:s24+s5] =	stream.linear.scatter [tilespmem:s28], [sflag:$0x3], $0xC800, $0x38;
	[tilespmem:$0x1FA80] =	vst v63  }
0xc0: {  	s0 =	sadd.s32 $0x1, s0  }
0xc1: {  	_ =	swait.ge [sflag:s2], $0xC800;
	p0 =	sne.s32 s0, s12  }
.Ltmp3:
0xc2: {  	[sflag:s2] =	ssyncset.done $0x0;
	(pc) =	sbr.rel @p0 .LBB2_1-.Ltmp3, $4  }
0xc3: {  	[sflag:s2] =	ssyncadd.s32 $0xFFFF3800  }
0xc4: {  	_ =	swait.ge [sflag:s2], $0xC800  }
0xc5: {  	[sflag:s2] =	ssyncset.done $0x0  }
0xc6: {  	[sflag:s2] =	ssyncadd.s32 $0xFFFF3800  }
0xc7: {  	_ =	sfence.sel $0x180000  }
0xc8: {  	[bflag:$0x0] =	sbarrier.arrive $0xFFFF  }
0xc9: {  	_ =	strace $0x90000047  }
0xca: {  	s0 =	stileid.u32;
	[bflag:$0x2] =	sbarrier.arrive $0xFFFF  }
0xcb: {  	p0 =	sne.s32 s0, $0x0;
	s0 =	rddreg [dreg:$0x4]  }
0xcc: {  	s0 =	sadd.s32 @!p0 $0x100000, s0  }
0xcd: {  	[sflag:s0] =	ssyncadd.tile.s32 @!p0 $0x1;
	_ =	shalt  }
.Lfunc_end2:
_tile_overlayer_lowered:
.L_overlay_start_2:
0xce: {  	(tag) =	ssettag $0x2  }
0xcf: {  	s0 =	rddreg [dreg:$0x0];
	s2 =	stileid.u32  }
0xd0: {  	s1 =	rddreg [dreg:$0x1];
	p0 =	sne.s32 s2, $0x0  }
0xd1: {  	s3 =	rddreg [dreg:$0x2];
	[bflag:$0x3] =	sbarrier.arrive $0xFFFF;
	s2 =	simm.s32 @!p0 $0x1C04  }
0xd2: {  	[timem:s3], [sflag:s2] =	dma.local @!p0 [hbm:s0], s1  }
0xd3: {  	s0 =	simm.s32 @!p0 $0x4  }
0xd4: {  	_ =	swait.ge @!p0 [sflag:s0], s1  }
0xd5: {  	s1 =	ssub.s32 @!p0 $0x0, s1;
	[sflag:s0] =	ssyncset.done @!p0 $0x0  }
0xd6: {  	[sflag:s0] =	ssyncadd.s32 @!p0 s1  }
0xd7: {  	[bflag:$0x3] =	sbarrier.arrive $0xFFFF  }
0xd8: {  	_ =	shalt  }

</sc_bundles>
